<compile_context>
chip_gen: v7x
topology: tpu7x:2x2x1
jax: 0.10.2.dev20260603
libtpu: 0.0.44.dev20260713+nightly
codegen_flags: <defaults>
</compile_context>

<pallas_src>
import functools

import jax
import jax.numpy as jnp
from jax import lax
from jax.experimental import pallas as pl
from jax.experimental.pallas import tpu as pltpu
from jax.experimental.pallas import tpu_sc as plsc

N, E, D, H, C, G = 10000, 320000, 128, 128, 40, 64
EPS = 1e-7

NC, NS = 2, 16
NW = NC * NS
CHUNK = 128
E_PAD = 327680
EDGES_PER_SUB = E_PAD // NS
CHUNKS_PER_SUB = EDGES_PER_SUB // CHUNK
NROWS = 10240
ROWS_PER_SUB = NROWS // NW
TABROWS = N + 8

_MESH = dict(core_axis_name="c", subcore_axis_name="s",
             num_cores=NC, num_subcores=NS)


def _f32(shape):
    return jax.ShapeDtypeStruct(shape, jnp.float32)


def _edge_pass(wq_tab, sd2d, zeros):
    out_ty = _f32((2 * NROWS, D))

    @functools.partial(
        pl.kernel,
        out_type=out_ty,
        mesh=plsc.VectorSubcoreMesh(**_MESH),
        scratch_types=[
            pltpu.VMEM((CHUNK,), jnp.int32),
            pltpu.VMEM((CHUNK,), jnp.int32),
            pltpu.VMEM((CHUNK, D), jnp.float32),
            pltpu.VMEM_SHARED((NROWS, D), jnp.float32),
            pltpu.SemaphoreType.DMA,
        ],
    )
    def k(tab_hbm, sd_hbm, zeros_hbm, dn_hbm,
          src_v, dst_v, rows0, acc, sem0):
        c = lax.axis_index("c")
        s = lax.axis_index("s")
        wid = c * NS + s

        base = s * ROWS_PER_SUB
        sl = pl.ds(base, ROWS_PER_SUB)
        pltpu.sync_copy(zeros_hbm.at[sl], acc.at[sl])

        plsc.subcore_barrier()

        eoff = s * EDGES_PER_SUB
        soff = c * E_PAD + eoff

        @pl.loop(0, CHUNKS_PER_SUB)
        def _(g):
            pltpu.sync_copy(
                sd_hbm.at[pl.ds(soff + g * CHUNK, CHUNK)], src_v)
            pltpu.sync_copy(
                sd_hbm.at[pl.ds(2 * E_PAD + eoff + g * CHUNK, CHUNK)], dst_v)
            pltpu.async_copy(tab_hbm.at[src_v], rows0, sem0).wait()
            pltpu.sync_copy(rows0, acc.at[dst_v], add=True)

        plsc.subcore_barrier()

        osl = pl.ds(c * NROWS + base, ROWS_PER_SUB)
        pltpu.sync_copy(acc.at[sl], dn_hbm.at[osl])

    return k(wq_tab, sd2d, zeros)


def _wq(p):
    c = jnp.max(p, axis=0, keepdims=True)
    w = jnp.exp(p - c)
    return w, p * w


def _stack_wq(w, q):
    z8 = jnp.zeros((8, D), jnp.float32)
    return jnp.concatenate([w, z8, q, z8], axis=0)


def _tables_body(x_ref, wq_ref):
    p = jnp.maximum(x_ref[...], 0.0) + EPS
    w, q = _wq(p)
    wq_ref[...] = _stack_wq(w, q)


def _aggr(dn_ref):
    return dn_ref[NROWS:NROWS + N, :] / (dn_ref[:N, :] + 1e-16)


def _mlp(y, W1, b1, g1, be1, W2, b2):
    h = jnp.dot(y, W1, preferred_element_type=jnp.float32) + b1
    mu = jnp.mean(h, axis=0, keepdims=True)
    var = jnp.mean((h - mu) * (h - mu), axis=0, keepdims=True)
    h = (h - mu) * lax.rsqrt(var + 1e-5) * g1 + be1
    h = jnp.maximum(h, 0.0)
    return jnp.dot(h, W2, preferred_element_type=jnp.float32) + b2


def _layer_body(dn_ref, x_ref, W1_ref, b1_ref, g1_ref, be1_ref,
                W2_ref, b2_ref, h_ref, wq_ref):
    y = _aggr(dn_ref) + x_ref[...]
    h = _mlp(y, W1_ref[...], b1_ref[...], g1_ref[...], be1_ref[...],
             W2_ref[...], b2_ref[...])
    h = jnp.maximum(h, 0.0)
    h_ref[...] = h
    w, q = _wq(h + EPS)
    wq_ref[...] = _stack_wq(w, q)


def _final_body(dn_ref, h_ref, W1_ref, b1_ref, g1_ref, be1_ref,
                W2_ref, b2_ref, batch_ref, fcW_ref, fcb_ref, out_ref):
    y = _aggr(dn_ref) + h_ref[...]
    z = _mlp(y, W1_ref[...], b1_ref[...], g1_ref[...], be1_ref[...],
             W2_ref[...], b2_ref[...])
    z = jnp.maximum(z, 0.0)
    gids = lax.broadcasted_iota(jnp.int32, (G, N), 0)
    onehot = (gids == batch_ref[...]).astype(jnp.float32)
    sums = jnp.dot(onehot, z, preferred_element_type=jnp.float32)
    cnt = jnp.sum(onehot, axis=1, keepdims=True)
    pooled = sums / jnp.maximum(cnt, 1.0)
    out_ref[...] = (
        jnp.dot(pooled, fcW_ref[...], preferred_element_type=jnp.float32)
        + fcb_ref[...]
    )


def kernel(x, edge_index, batch, c1_W1, c1_b1, c1_g1, c1_be1, c1_W2, c1_b2,
           c2_W1, c2_b1, c2_g1, c2_be1, c2_W2, c2_b2, fc_W, fc_b):
    src = edge_index[0].astype(jnp.int32)
    dst = edge_index[1].astype(jnp.int32)
    pad = E_PAD - E
    src1d = jnp.concatenate([src, jnp.full((pad,), N, jnp.int32)])
    dst1d = jnp.concatenate([dst, jnp.zeros((pad,), jnp.int32)])
    sd2d = jnp.concatenate([src1d, src1d + TABROWS, dst1d])
    zeros = jnp.zeros((NROWS, D), jnp.float32)
    batch2d = batch.reshape(1, N)

    wq1 = pl.pallas_call(
        _tables_body, out_shape=_f32((2 * TABROWS, D))
    )(x)
    dn1 = _edge_pass(wq1, sd2d, zeros)

    h, wq2 = pl.pallas_call(
        _layer_body,
        out_shape=(_f32((N, H)), _f32((2 * TABROWS, D)))
    )(dn1, x, c1_W1, c1_b1, c1_g1, c1_be1, c1_W2, c1_b2)

    dn2 = _edge_pass(wq2, sd2d, zeros)

    out = pl.pallas_call(_final_body, out_shape=_f32((G, C)))(
        dn2, h, c2_W1, c2_b1, c2_g1, c2_be1, c2_W2, c2_b2,
        batch2d, fc_W, fc_b)
    return out

# --- scband reference (transcript-rebuilt; emitter-appended) ---
"""Pipeline reference for scband-gennet-28836410425878 (READ-ONLY COPY).

The authoritative reference and input builder live on the scoring server;
editing this copy changes nothing except your own understanding.
"""

import jax, jax.numpy as jnp
import numpy as np

N, E, D, H, C, G = 10000, 320000, 128, 128, 40, 64
EPS = 1e-7


def _mlp(x, W1, b1, g1, be1, W2, b2):
    # PyG MLP([in, 2*in, out]) with batch norm (training mode) + relu, plain last layer
    h = x @ W1 + b1
    mu = h.mean(axis=0)
    var = h.var(axis=0)
    h = (h - mu) / jnp.sqrt(var + 1e-5) * g1 + be1
    h = jax.nn.relu(h)
    return h @ W2 + b2


def _gen_conv(x, src, dst, W1, b1, g1, be1, W2, b2):
    # GENConv default: aggr='softmax', t=1.0, eps=1e-7
    m = jax.nn.relu(x[src]) + EPS
    mmax = jax.ops.segment_max(m, dst, num_segments=N)
    mmax = jnp.where(jnp.isfinite(mmax), mmax, 0.0)
    ex = jnp.exp(m - mmax[dst])
    den = jax.ops.segment_sum(ex, dst, num_segments=N)
    alpha = ex / (den[dst] + 1e-16)
    aggr = jax.ops.segment_sum(m * alpha, dst, num_segments=N)
    return _mlp(aggr + x, W1, b1, g1, be1, W2, b2)


def setup_inputs(seed: int = 0):
    key = jax.random.key(seed)
    ks = jax.random.split(key, 20)

    def lin(k, fi, shape):
        return (jax.random.uniform(k, shape, dtype=jnp.float32) * 2.0 - 1.0) / np.sqrt(fi)

    inp = {}
    inp['x'] = jax.random.normal(ks[0], (N, D), dtype=jnp.float32)
    inp['edge_index'] = jax.random.randint(ks[1], (2, E), 0, N, dtype=jnp.int32)
    inp['batch'] = jnp.sort(jax.random.randint(ks[2], (N,), 0, G, dtype=jnp.int32))
    inp['c1_W1'] = lin(ks[3], D, (D, 2 * D)); inp['c1_b1'] = jnp.zeros((2 * D,), jnp.float32)
    inp['c1_g1'] = jnp.ones((2 * D,), jnp.float32); inp['c1_be1'] = jnp.zeros((2 * D,), jnp.float32)
    inp['c1_W2'] = lin(ks[4], 2 * D, (2 * D, H)); inp['c1_b2'] = jnp.zeros((H,), jnp.float32)
    inp['c2_W1'] = lin(ks[5], H, (H, 2 * H)); inp['c2_b1'] = jnp.zeros((2 * H,), jnp.float32)
    inp['c2_g1'] = jnp.ones((2 * H,), jnp.float32); inp['c2_be1'] = jnp.zeros((2 * H,), jnp.float32)
    inp['c2_W2'] = lin(ks[6], 2 * H, (2 * H, H)); inp['c2_b2'] = jnp.zeros((H,), jnp.float32)
    inp['fc_W'] = lin(ks[7], H, (H, C)); inp['fc_b'] = jnp.zeros((C,), jnp.float32)
    return inp


def reference(x, edge_index, batch, c1_W1, c1_b1, c1_g1, c1_be1, c1_W2, c1_b2,
              c2_W1, c2_b1, c2_g1, c2_be1, c2_W2, c2_b2, fc_W, fc_b):
    src, dst = edge_index[0], edge_index[1]
    h = _gen_conv(x, src, dst, c1_W1, c1_b1, c1_g1, c1_be1, c1_W2, c1_b2)
    h = jax.nn.relu(h)
    h = _gen_conv(h, src, dst, c2_W1, c2_b1, c2_g1, c2_be1, c2_W2, c2_b2)
    h = jax.nn.relu(h)
    sums = jax.ops.segment_sum(h, batch, num_segments=G)
    cnt = jax.ops.segment_sum(jnp.ones((N, 1), jnp.float32), batch, num_segments=G)
    pooled = sums / jnp.maximum(cnt, 1.0)
    return pooled @ fc_W + fc_b

if __name__ == "__main__":
    import jax
    _d = setup_inputs()
    print(jax.jit(kernel)(*tuple(_d.values())))

</pallas_src>

<mosaic_0001>
#map = affine_map<(d0, d1) -> (0, 0)>
#map1 = affine_map<(d0, d1) -> (0)>
module attributes {stable_mosaic.version = 14 : i64} {
  func.func @k(%arg0: i32, %arg1: i32, %arg2: memref<20016x128xf32, #tpu.memory_space<hbm>>, %arg3: memref<983040xi32, #tpu.memory_space<hbm>>, %arg4: memref<10240x128xf32, #tpu.memory_space<hbm>>, %arg5: memref<20480x128xf32, #tpu.memory_space<hbm>>, %arg6: memref<128xi32, #tpu.memory_space<vmem>>, %arg7: memref<128xi32, #tpu.memory_space<vmem>>, %arg8: memref<128x128xf32, #tpu.memory_space<vmem>>, %arg9: memref<10240x128xf32, #tpu.memory_space<vmem_shared>>, %arg10: memref<!tpu.dma_semaphore, #tpu.memory_space<semaphore_mem>>) attributes {dimension_semantics = [#tpu.dimension_semantics<core_parallel>, #tpu.dimension_semantics<subcore_parallel>], iteration_bounds = array<i64: 2, 16>, scalar_prefetch = 0 : i64, scratch_operands = 5 : i64, tpu.core_type = #tpu.core_type<sc_vector_subcore>, window_params = [{transform_indices = #map}, {transform_indices = #map1}, {transform_indices = #map}, {transform_indices = #map}]} {
    %mul3A = arith.constant 16 : i32
    %mul3A_0 = arith.muli %arg0, %mul3A : i32
    %add3A = arith.addi %mul3A_0, %arg1 : i32
    %mul3A_1 = arith.constant 320 : i32
    %mul3A_2 = arith.muli %arg1, %mul3A_1 : i32
    "tpu.region"() ({
      %run_scoped3A = tpu.sem_alloc : memref<!tpu.dma_semaphore, #tpu.memory_space<semaphore_mem>>
      %dma_start3A = arith.constant 0 : i32
      %dma_start3A_16 = tpu.memref_slice %arg9[%mul3A_2, %dma_start3A] : memref<10240x128xf32, #tpu.memory_space<vmem_shared>> -> memref<320x128xf32, #tpu.memory_space<vmem_shared>>
      %dma_start3A_17 = arith.constant 0 : i32
      %dma_start3A_18 = tpu.memref_slice %arg4[%mul3A_2, %dma_start3A_17] : memref<10240x128xf32, #tpu.memory_space<hbm>> -> memref<320x128xf32, #tpu.memory_space<hbm>>
      tpu.enqueue_dma source(%dma_start3A_18 : memref<320x128xf32, #tpu.memory_space<hbm>>) target(%dma_start3A_16 : memref<320x128xf32, #tpu.memory_space<vmem_shared>>) target_semaphore(%run_scoped3A : memref<!tpu.dma_semaphore, #tpu.memory_space<semaphore_mem>>)
      %dma_wait3A = arith.constant 0 : i32
      %dma_wait3A_19 = tpu.memref_slice %arg9[%mul3A_2, %dma_wait3A] : memref<10240x128xf32, #tpu.memory_space<vmem_shared>> -> memref<320x128xf32, #tpu.memory_space<vmem_shared>>
      %dma_wait3A_20 = arith.constant 0 : i32
      %dma_wait3A_21 = tpu.memref_slice %arg4[%mul3A_2, %dma_wait3A_20] : memref<10240x128xf32, #tpu.memory_space<hbm>> -> memref<320x128xf32, #tpu.memory_space<hbm>>
      tpu.wait_dma2 semaphore(%run_scoped3A : memref<!tpu.dma_semaphore, #tpu.memory_space<semaphore_mem>>) src(%dma_wait3A_21 : memref<320x128xf32, #tpu.memory_space<hbm>>) dst(%dma_wait3A_19 : memref<320x128xf32, #tpu.memory_space<vmem_shared>>)
      tpu.yield
    }) : () -> ()
    %barrier3A = arith.constant 0 : index
    tpu.barrier barrier_id(%barrier3A)
    %mul3A_3 = arith.constant 20480 : i32
    %mul3A_4 = arith.muli %arg1, %mul3A_3 : i32
    %mul3A_5 = arith.constant 327680 : i32
    %mul3A_6 = arith.muli %arg0, %mul3A_5 : i32
    %add3A_7 = arith.addi %mul3A_6, %mul3A_4 : i32
    %scan3A = arith.constant 0 : i32
    %scan3A_8 = arith.constant 160 : i32
    %scan3A_9 = arith.addi %scan3A, %scan3A_8 : i32
    %scan3A_10 = arith.constant 1 : i32
    scf.for %scan3A_16 = %scan3A to %scan3A_9 step %scan3A_10  : i32 {
      %mul3A_17 = arith.constant 1 : i32
      %mul3A_18 = arith.muli %scan3A_16, %mul3A_17 : i32
      %add3A_19 = arith.constant 0 : i32
      %add3A_20 = arith.addi %add3A_19, %mul3A_18 : i32
      %mul3A_21 = arith.constant 128 : i32
      %mul3A_22 = arith.muli %add3A_20, %mul3A_21 : i32
      %add3A_23 = arith.addi %add3A_7, %mul3A_22 : i32
      "tpu.region"() ({
        %run_scoped3A = tpu.sem_alloc : memref<!tpu.dma_semaphore, #tpu.memory_space<semaphore_mem>>
        %dma_start3A_33 = tpu.memref_slice %arg3[%add3A_23] : memref<983040xi32, #tpu.memory_space<hbm>> -> memref<128xi32, #tpu.memory_space<hbm>>
        %dma_start3A_34 = tpu.memref_slice %arg3[%add3A_23] : memref<983040xi32, #tpu.memory_space<hbm>> -> memref<128xi32, #tpu.memory_space<hbm>>
        tpu.enqueue_dma source(%dma_start3A_34 : memref<128xi32, #tpu.memory_space<hbm>>) target(%arg6 : memref<128xi32, #tpu.memory_space<vmem>>) target_semaphore(%run_scoped3A : memref<!tpu.dma_semaphore, #tpu.memory_space<semaphore_mem>>)
        %dma_wait3A_35 = tpu.memref_slice %arg3[%add3A_23] : memref<983040xi32, #tpu.memory_space<hbm>> -> memref<128xi32, #tpu.memory_space<hbm>>
        %dma_wait3A_36 = tpu.memref_slice %arg3[%add3A_23] : memref<983040xi32, #tpu.memory_space<hbm>> -> memref<128xi32, #tpu.memory_space<hbm>>
        tpu.wait_dma2 semaphore(%run_scoped3A : memref<!tpu.dma_semaphore, #tpu.memory_space<semaphore_mem>>) src(%dma_wait3A_36 : memref<128xi32, #tpu.memory_space<hbm>>) dst(%arg6 : memref<128xi32, #tpu.memory_space<vmem>>)
        tpu.yield
      }) : () -> ()
      %add3A_24 = arith.constant 655360 : i32
      %add3A_25 = arith.addi %add3A_24, %mul3A_4 : i32
      %mul3A_26 = arith.constant 128 : i32
      %mul3A_27 = arith.muli %add3A_20, %mul3A_26 : i32
      %add3A_28 = arith.addi %add3A_25, %mul3A_27 : i32
      "tpu.region"() ({
        %run_scoped3A = tpu.sem_alloc : memref<!tpu.dma_semaphore, #tpu.memory_space<semaphore_mem>>
        %dma_start3A_33 = tpu.memref_slice %arg3[%add3A_28] : memref<983040xi32, #tpu.memory_space<hbm>> -> memref<128xi32, #tpu.memory_space<hbm>>
        %dma_start3A_34 = tpu.memref_slice %arg3[%add3A_28] : memref<983040xi32, #tpu.memory_space<hbm>> -> memref<128xi32, #tpu.memory_space<hbm>>
        tpu.enqueue_dma source(%dma_start3A_34 : memref<128xi32, #tpu.memory_space<hbm>>) target(%arg7 : memref<128xi32, #tpu.memory_space<vmem>>) target_semaphore(%run_scoped3A : memref<!tpu.dma_semaphore, #tpu.memory_space<semaphore_mem>>)
        %dma_wait3A_35 = tpu.memref_slice %arg3[%add3A_28] : memref<983040xi32, #tpu.memory_space<hbm>> -> memref<128xi32, #tpu.memory_space<hbm>>
        %dma_wait3A_36 = tpu.memref_slice %arg3[%add3A_28] : memref<983040xi32, #tpu.memory_space<hbm>> -> memref<128xi32, #tpu.memory_space<hbm>>
        tpu.wait_dma2 semaphore(%run_scoped3A : memref<!tpu.dma_semaphore, #tpu.memory_space<semaphore_mem>>) src(%dma_wait3A_36 : memref<128xi32, #tpu.memory_space<hbm>>) dst(%arg7 : memref<128xi32, #tpu.memory_space<vmem>>)
        tpu.yield
      }) : () -> ()
      %dma_start3A = arith.constant 0 : i32
      %dma_start3A_29 = arith.constant 0 : i32
      %dma_start3A_30 = tpu.memref_slice %arg2[%dma_start3A, %dma_start3A_29] : memref<20016x128xf32, #tpu.memory_space<hbm>> -> memref<20016x128xf32, #tpu.memory_space<hbm>>
      tpu.enqueue_indirect_dma source(%dma_start3A_30 : memref<20016x128xf32, #tpu.memory_space<hbm>>) target(%arg8 : memref<128x128xf32, #tpu.memory_space<vmem>>) offsets(%arg6 : memref<128xi32, #tpu.memory_space<vmem>>) semaphore(%arg10 : memref<!tpu.dma_semaphore, #tpu.memory_space<semaphore_mem>>)
      %dma_wait3A = arith.constant 0 : i32
      %dma_wait3A_31 = arith.constant 0 : i32
      %dma_wait3A_32 = tpu.memref_slice %arg2[%dma_wait3A, %dma_wait3A_31] : memref<20016x128xf32, #tpu.memory_space<hbm>> -> memref<20016x128xf32, #tpu.memory_space<hbm>>
      tpu.wait_indirect_dma semaphore(%arg10 : memref<!tpu.dma_semaphore, #tpu.memory_space<semaphore_mem>>) src(%dma_wait3A_32 : memref<20016x128xf32, #tpu.memory_space<hbm>>) dst(%arg8 : memref<128x128xf32, #tpu.memory_space<vmem>>)
      "tpu.region"() ({
        %run_scoped3A = tpu.sem_alloc : memref<!tpu.dma_semaphore, #tpu.memory_space<semaphore_mem>>
        %dma_start3A_33 = arith.constant 0 : i32
        %dma_start3A_34 = arith.constant 0 : i32
        %dma_start3A_35 = tpu.memref_slice %arg9[%dma_start3A_33, %dma_start3A_34] : memref<10240x128xf32, #tpu.memory_space<vmem_shared>> -> memref<10240x128xf32, #tpu.memory_space<vmem_shared>>
        tpu.enqueue_indirect_dma source(%arg8 : memref<128x128xf32, #tpu.memory_space<vmem>>) target(%dma_start3A_35 : memref<10240x128xf32, #tpu.memory_space<vmem_shared>>) offsets(%arg7 : memref<128xi32, #tpu.memory_space<vmem>>) semaphore(%run_scoped3A : memref<!tpu.dma_semaphore, #tpu.memory_space<semaphore_mem>>) {add = true}
        %dma_wait3A_36 = arith.constant 0 : i32
        %dma_wait3A_37 = arith.constant 0 : i32
        %dma_wait3A_38 = tpu.memref_slice %arg9[%dma_wait3A_36, %dma_wait3A_37] : memref<10240x128xf32, #tpu.memory_space<vmem_shared>> -> memref<10240x128xf32, #tpu.memory_space<vmem_shared>>
        tpu.wait_indirect_dma semaphore(%run_scoped3A : memref<!tpu.dma_semaphore, #tpu.memory_space<semaphore_mem>>) src(%arg8 : memref<128x128xf32, #tpu.memory_space<vmem>>) dst(%dma_wait3A_38 : memref<10240x128xf32, #tpu.memory_space<vmem_shared>>)
        tpu.yield
      }) : () -> ()
    }
    %scan3A_11 = arith.constant 160 : i32
    %barrier3A_12 = arith.constant 0 : index
    tpu.barrier barrier_id(%barrier3A_12)
    %mul3A_13 = arith.constant 10240 : i32
    %mul3A_14 = arith.muli %arg0, %mul3A_13 : i32
    %add3A_15 = arith.addi %mul3A_14, %mul3A_2 : i32
    "tpu.region"() ({
      %run_scoped3A = tpu.sem_alloc : memref<!tpu.dma_semaphore, #tpu.memory_space<semaphore_mem>>
      %dma_start3A = arith.constant 0 : i32
      %dma_start3A_16 = tpu.memref_slice %arg5[%add3A_15, %dma_start3A] : memref<20480x128xf32, #tpu.memory_space<hbm>> -> memref<320x128xf32, #tpu.memory_space<hbm>>
      %dma_start3A_17 = arith.constant 0 : i32
      %dma_start3A_18 = tpu.memref_slice %arg9[%mul3A_2, %dma_start3A_17] : memref<10240x128xf32, #tpu.memory_space<vmem_shared>> -> memref<320x128xf32, #tpu.memory_space<vmem_shared>>
      tpu.enqueue_dma source(%dma_start3A_18 : memref<320x128xf32, #tpu.memory_space<vmem_shared>>) target(%dma_start3A_16 : memref<320x128xf32, #tpu.memory_space<hbm>>) target_semaphore(%run_scoped3A : memref<!tpu.dma_semaphore, #tpu.memory_space<semaphore_mem>>)
      %dma_wait3A = arith.constant 0 : i32
      %dma_wait3A_19 = tpu.memref_slice %arg5[%add3A_15, %dma_wait3A] : memref<20480x128xf32, #tpu.memory_space<hbm>> -> memref<320x128xf32, #tpu.memory_space<hbm>>
      %dma_wait3A_20 = arith.constant 0 : i32
      %dma_wait3A_21 = tpu.memref_slice %arg9[%mul3A_2, %dma_wait3A_20] : memref<10240x128xf32, #tpu.memory_space<vmem_shared>> -> memref<320x128xf32, #tpu.memory_space<vmem_shared>>
      tpu.wait_dma2 semaphore(%run_scoped3A : memref<!tpu.dma_semaphore, #tpu.memory_space<semaphore_mem>>) src(%dma_wait3A_21 : memref<320x128xf32, #tpu.memory_space<vmem_shared>>) dst(%dma_wait3A_19 : memref<320x128xf32, #tpu.memory_space<hbm>>)
      tpu.yield
    }) : () -> ()
    return
  }
}

#map = affine_map<(d0, d1) -> (0, 0)>
#map1 = affine_map<(d0, d1) -> (0)>
module attributes {stable_mosaic.version = 14 : i64} {
  func.func @k(%arg0: i32, %arg1: i32, %arg2: memref<20016x128xf32, #tpu.memory_space<hbm>>, %arg3: memref<983040xi32, #tpu.memory_space<hbm>>, %arg4: memref<10240x128xf32, #tpu.memory_space<hbm>>, %arg5: memref<20480x128xf32, #tpu.memory_space<hbm>>, %arg6: memref<128xi32, #tpu.memory_space<vmem>>, %arg7: memref<128xi32, #tpu.memory_space<vmem>>, %arg8: memref<128x128xf32, #tpu.memory_space<vmem>>, %arg9: memref<10240x128xf32, #tpu.memory_space<vmem_shared>>, %arg10: memref<!tpu.dma_semaphore, #tpu.memory_space<semaphore_mem>>) attributes {dimension_semantics = [#tpu.dimension_semantics<core_parallel>, #tpu.dimension_semantics<subcore_parallel>], iteration_bounds = array<i64: 2, 16>, scalar_prefetch = 0 : i64, scratch_operands = 5 : i64, tpu.core_type = #tpu.core_type<sc_vector_subcore>, window_params = [{transform_indices = #map}, {transform_indices = #map1}, {transform_indices = #map}, {transform_indices = #map}]} {
    %mul3A = arith.constant 16 : i32
    %mul3A_0 = arith.muli %arg0, %mul3A : i32
    %add3A = arith.addi %mul3A_0, %arg1 : i32
    %mul3A_1 = arith.constant 320 : i32
    %mul3A_2 = arith.muli %arg1, %mul3A_1 : i32
    "tpu.region"() ({
      %run_scoped3A = tpu.sem_alloc : memref<!tpu.dma_semaphore, #tpu.memory_space<semaphore_mem>>
      %dma_start3A = arith.constant 0 : i32
      %dma_start3A_16 = tpu.memref_slice %arg9[%mul3A_2, %dma_start3A] : memref<10240x128xf32, #tpu.memory_space<vmem_shared>> -> memref<320x128xf32, #tpu.memory_space<vmem_shared>>
      %dma_start3A_17 = arith.constant 0 : i32
      %dma_start3A_18 = tpu.memref_slice %arg4[%mul3A_2, %dma_start3A_17] : memref<10240x128xf32, #tpu.memory_space<hbm>> -> memref<320x128xf32, #tpu.memory_space<hbm>>
      tpu.enqueue_dma source(%dma_start3A_18 : memref<320x128xf32, #tpu.memory_space<hbm>>) target(%dma_start3A_16 : memref<320x128xf32, #tpu.memory_space<vmem_shared>>) target_semaphore(%run_scoped3A : memref<!tpu.dma_semaphore, #tpu.memory_space<semaphore_mem>>)
      %dma_wait3A = arith.constant 0 : i32
      %dma_wait3A_19 = tpu.memref_slice %arg9[%mul3A_2, %dma_wait3A] : memref<10240x128xf32, #tpu.memory_space<vmem_shared>> -> memref<320x128xf32, #tpu.memory_space<vmem_shared>>
      %dma_wait3A_20 = arith.constant 0 : i32
      %dma_wait3A_21 = tpu.memref_slice %arg4[%mul3A_2, %dma_wait3A_20] : memref<10240x128xf32, #tpu.memory_space<hbm>> -> memref<320x128xf32, #tpu.memory_space<hbm>>
      tpu.wait_dma2 semaphore(%run_scoped3A : memref<!tpu.dma_semaphore, #tpu.memory_space<semaphore_mem>>) src(%dma_wait3A_21 : memref<320x128xf32, #tpu.memory_space<hbm>>) dst(%dma_wait3A_19 : memref<320x128xf32, #tpu.memory_space<vmem_shared>>)
      tpu.yield
    }) : () -> ()
    %barrier3A = arith.constant 0 : index
    tpu.barrier barrier_id(%barrier3A)
    %mul3A_3 = arith.constant 20480 : i32
    %mul3A_4 = arith.muli %arg1, %mul3A_3 : i32
    %mul3A_5 = arith.constant 327680 : i32
    %mul3A_6 = arith.muli %arg0, %mul3A_5 : i32
    %add3A_7 = arith.addi %mul3A_6, %mul3A_4 : i32
    %scan3A = arith.constant 0 : i32
    %scan3A_8 = arith.constant 160 : i32
    %scan3A_9 = arith.addi %scan3A, %scan3A_8 : i32
    %scan3A_10 = arith.constant 1 : i32
    scf.for %scan3A_16 = %scan3A to %scan3A_9 step %scan3A_10  : i32 {
      %mul3A_17 = arith.constant 1 : i32
      %mul3A_18 = arith.muli %scan3A_16, %mul3A_17 : i32
      %add3A_19 = arith.constant 0 : i32
      %add3A_20 = arith.addi %add3A_19, %mul3A_18 : i32
      %mul3A_21 = arith.constant 128 : i32
      %mul3A_22 = arith.muli %add3A_20, %mul3A_21 : i32
      %add3A_23 = arith.addi %add3A_7, %mul3A_22 : i32
      "tpu.region"() ({
        %run_scoped3A = tpu.sem_alloc : memref<!tpu.dma_semaphore, #tpu.memory_space<semaphore_mem>>
        %dma_start3A_33 = tpu.memref_slice %arg3[%add3A_23] : memref<983040xi32, #tpu.memory_space<hbm>> -> memref<128xi32, #tpu.memory_space<hbm>>
        %dma_start3A_34 = tpu.memref_slice %arg3[%add3A_23] : memref<983040xi32, #tpu.memory_space<hbm>> -> memref<128xi32, #tpu.memory_space<hbm>>
        tpu.enqueue_dma source(%dma_start3A_34 : memref<128xi32, #tpu.memory_space<hbm>>) target(%arg6 : memref<128xi32, #tpu.memory_space<vmem>>) target_semaphore(%run_scoped3A : memref<!tpu.dma_semaphore, #tpu.memory_space<semaphore_mem>>)
        %dma_wait3A_35 = tpu.memref_slice %arg3[%add3A_23] : memref<983040xi32, #tpu.memory_space<hbm>> -> memref<128xi32, #tpu.memory_space<hbm>>
        %dma_wait3A_36 = tpu.memref_slice %arg3[%add3A_23] : memref<983040xi32, #tpu.memory_space<hbm>> -> memref<128xi32, #tpu.memory_space<hbm>>
        tpu.wait_dma2 semaphore(%run_scoped3A : memref<!tpu.dma_semaphore, #tpu.memory_space<semaphore_mem>>) src(%dma_wait3A_36 : memref<128xi32, #tpu.memory_space<hbm>>) dst(%arg6 : memref<128xi32, #tpu.memory_space<vmem>>)
        tpu.yield
      }) : () -> ()
      %add3A_24 = arith.constant 655360 : i32
      %add3A_25 = arith.addi %add3A_24, %mul3A_4 : i32
      %mul3A_26 = arith.constant 128 : i32
      %mul3A_27 = arith.muli %add3A_20, %mul3A_26 : i32
      %add3A_28 = arith.addi %add3A_25, %mul3A_27 : i32
      "tpu.region"() ({
        %run_scoped3A = tpu.sem_alloc : memref<!tpu.dma_semaphore, #tpu.memory_space<semaphore_mem>>
        %dma_start3A_33 = tpu.memref_slice %arg3[%add3A_28] : memref<983040xi32, #tpu.memory_space<hbm>> -> memref<128xi32, #tpu.memory_space<hbm>>
        %dma_start3A_34 = tpu.memref_slice %arg3[%add3A_28] : memref<983040xi32, #tpu.memory_space<hbm>> -> memref<128xi32, #tpu.memory_space<hbm>>
        tpu.enqueue_dma source(%dma_start3A_34 : memref<128xi32, #tpu.memory_space<hbm>>) target(%arg7 : memref<128xi32, #tpu.memory_space<vmem>>) target_semaphore(%run_scoped3A : memref<!tpu.dma_semaphore, #tpu.memory_space<semaphore_mem>>)
        %dma_wait3A_35 = tpu.memref_slice %arg3[%add3A_28] : memref<983040xi32, #tpu.memory_space<hbm>> -> memref<128xi32, #tpu.memory_space<hbm>>
        %dma_wait3A_36 = tpu.memref_slice %arg3[%add3A_28] : memref<983040xi32, #tpu.memory_space<hbm>> -> memref<128xi32, #tpu.memory_space<hbm>>
        tpu.wait_dma2 semaphore(%run_scoped3A : memref<!tpu.dma_semaphore, #tpu.memory_space<semaphore_mem>>) src(%dma_wait3A_36 : memref<128xi32, #tpu.memory_space<hbm>>) dst(%arg7 : memref<128xi32, #tpu.memory_space<vmem>>)
        tpu.yield
      }) : () -> ()
      %dma_start3A = arith.constant 0 : i32
      %dma_start3A_29 = arith.constant 0 : i32
      %dma_start3A_30 = tpu.memref_slice %arg2[%dma_start3A, %dma_start3A_29] : memref<20016x128xf32, #tpu.memory_space<hbm>> -> memref<20016x128xf32, #tpu.memory_space<hbm>>
      tpu.enqueue_indirect_dma source(%dma_start3A_30 : memref<20016x128xf32, #tpu.memory_space<hbm>>) target(%arg8 : memref<128x128xf32, #tpu.memory_space<vmem>>) offsets(%arg6 : memref<128xi32, #tpu.memory_space<vmem>>) semaphore(%arg10 : memref<!tpu.dma_semaphore, #tpu.memory_space<semaphore_mem>>)
      %dma_wait3A = arith.constant 0 : i32
      %dma_wait3A_31 = arith.constant 0 : i32
      %dma_wait3A_32 = tpu.memref_slice %arg2[%dma_wait3A, %dma_wait3A_31] : memref<20016x128xf32, #tpu.memory_space<hbm>> -> memref<20016x128xf32, #tpu.memory_space<hbm>>
      tpu.wait_indirect_dma semaphore(%arg10 : memref<!tpu.dma_semaphore, #tpu.memory_space<semaphore_mem>>) src(%dma_wait3A_32 : memref<20016x128xf32, #tpu.memory_space<hbm>>) dst(%arg8 : memref<128x128xf32, #tpu.memory_space<vmem>>)
      "tpu.region"() ({
        %run_scoped3A = tpu.sem_alloc : memref<!tpu.dma_semaphore, #tpu.memory_space<semaphore_mem>>
        %dma_start3A_33 = arith.constant 0 : i32
        %dma_start3A_34 = arith.constant 0 : i32
        %dma_start3A_35 = tpu.memref_slice %arg9[%dma_start3A_33, %dma_start3A_34] : memref<10240x128xf32, #tpu.memory_space<vmem_shared>> -> memref<10240x128xf32, #tpu.memory_space<vmem_shared>>
        tpu.enqueue_indirect_dma source(%arg8 : memref<128x128xf32, #tpu.memory_space<vmem>>) target(%dma_start3A_35 : memref<10240x128xf32, #tpu.memory_space<vmem_shared>>) offsets(%arg7 : memref<128xi32, #tpu.memory_space<vmem>>) semaphore(%run_scoped3A : memref<!tpu.dma_semaphore, #tpu.memory_space<semaphore_mem>>) {add = true}
        %dma_wait3A_36 = arith.constant 0 : i32
        %dma_wait3A_37 = arith.constant 0 : i32
        %dma_wait3A_38 = tpu.memref_slice %arg9[%dma_wait3A_36, %dma_wait3A_37] : memref<10240x128xf32, #tpu.memory_space<vmem_shared>> -> memref<10240x128xf32, #tpu.memory_space<vmem_shared>>
        tpu.wait_indirect_dma semaphore(%run_scoped3A : memref<!tpu.dma_semaphore, #tpu.memory_space<semaphore_mem>>) src(%arg8 : memref<128x128xf32, #tpu.memory_space<vmem>>) dst(%dma_wait3A_38 : memref<10240x128xf32, #tpu.memory_space<vmem_shared>>)
        tpu.yield
      }) : () -> ()
    }
    %scan3A_11 = arith.constant 160 : i32
    %barrier3A_12 = arith.constant 0 : index
    tpu.barrier barrier_id(%barrier3A_12)
    %mul3A_13 = arith.constant 10240 : i32
    %mul3A_14 = arith.muli %arg0, %mul3A_13 : i32
    %add3A_15 = arith.addi %mul3A_14, %mul3A_2 : i32
    "tpu.region"() ({
      %run_scoped3A = tpu.sem_alloc : memref<!tpu.dma_semaphore, #tpu.memory_space<semaphore_mem>>
      %dma_start3A = arith.constant 0 : i32
      %dma_start3A_16 = tpu.memref_slice %arg5[%add3A_15, %dma_start3A] : memref<20480x128xf32, #tpu.memory_space<hbm>> -> memref<320x128xf32, #tpu.memory_space<hbm>>
      %dma_start3A_17 = arith.constant 0 : i32
      %dma_start3A_18 = tpu.memref_slice %arg9[%mul3A_2, %dma_start3A_17] : memref<10240x128xf32, #tpu.memory_space<vmem_shared>> -> memref<320x128xf32, #tpu.memory_space<vmem_shared>>
      tpu.enqueue_dma source(%dma_start3A_18 : memref<320x128xf32, #tpu.memory_space<vmem_shared>>) target(%dma_start3A_16 : memref<320x128xf32, #tpu.memory_space<hbm>>) target_semaphore(%run_scoped3A : memref<!tpu.dma_semaphore, #tpu.memory_space<semaphore_mem>>)
      %dma_wait3A = arith.constant 0 : i32
      %dma_wait3A_19 = tpu.memref_slice %arg5[%add3A_15, %dma_wait3A] : memref<20480x128xf32, #tpu.memory_space<hbm>> -> memref<320x128xf32, #tpu.memory_space<hbm>>
      %dma_wait3A_20 = arith.constant 0 : i32
      %dma_wait3A_21 = tpu.memref_slice %arg9[%mul3A_2, %dma_wait3A_20] : memref<10240x128xf32, #tpu.memory_space<vmem_shared>> -> memref<320x128xf32, #tpu.memory_space<vmem_shared>>
      tpu.wait_dma2 semaphore(%run_scoped3A : memref<!tpu.dma_semaphore, #tpu.memory_space<semaphore_mem>>) src(%dma_wait3A_21 : memref<320x128xf32, #tpu.memory_space<vmem_shared>>) dst(%dma_wait3A_19 : memref<320x128xf32, #tpu.memory_space<hbm>>)
      tpu.yield
    }) : () -> ()
    return
  }
}

module attributes {stable_mosaic.version = 14 : i64} {
  func.func @_tables_body(%arg0: memref<10000x128xf32, #tpu.memory_space<vmem>>, %arg1: memref<20016x128xf32, #tpu.memory_space<vmem>>) attributes {dimension_semantics = [], scalar_prefetch = 0 : i64, scratch_operands = 0 : i64, tpu.core_type = #tpu.core_type<tc>} {
    %get3A = arith.constant 0 : index
    %get3A_0 = arith.constant 0 : index
    %get3A_1 = vector.load %arg0[%get3A, %get3A_0] : memref<10000x128xf32, #tpu.memory_space<vmem>>, vector<10000x128xf32>
    %max3A = arith.constant 0.000000e+00 : f32
    %max3A_2 = vector.broadcast %max3A : f32 to vector<10000x128xf32>
    %max3A_3 = arith.maximumf %get3A_1, %max3A_2 : vector<10000x128xf32>
    %add3A = arith.constant 1.000000e-07 : f32
    %add3A_4 = vector.broadcast %add3A : f32 to vector<10000x128xf32>
    %add3A_5 = arith.addf %max3A_3, %add3A_4 : vector<10000x128xf32>
    %reduce_max3A = arith.constant dense<0xFF800000> : vector<128xf32>
    %reduce_max3A_6 = vector.multi_reduction <maximumf>, %add3A_5, %reduce_max3A [0] : vector<10000x128xf32> to vector<128xf32>
    %broadcast_in_dim3A = vector.shape_cast %reduce_max3A_6 : vector<128xf32> to vector<1x128xf32>
    %sub3A = vector.broadcast %broadcast_in_dim3A : vector<1x128xf32> to vector<10000x128xf32>
    %sub3A_7 = arith.subf %add3A_5, %sub3A : vector<10000x128xf32>
    %exp3A = math.exp %sub3A_7 : vector<10000x128xf32>
    %mul3A = arith.mulf %add3A_5, %exp3A : vector<10000x128xf32>
    %broadcast_in_dim3A_8 = arith.constant 0.000000e+00 : f32
    %broadcast_in_dim3A_9 = vector.broadcast %broadcast_in_dim3A_8 : f32 to vector<8x128xf32>
    %concatenate3A = tpu.concatenate %exp3A, %broadcast_in_dim3A_9, %mul3A, %broadcast_in_dim3A_9 in 0 : vector<10000x128xf32>, vector<8x128xf32>, vector<10000x128xf32>, vector<8x128xf32> -> vector<20016x128xf32>
    %swap3A = arith.constant 0 : index
    %swap3A_10 = arith.constant 0 : index
    %swap3A_11 = vector.load %arg1[%swap3A, %swap3A_10] : memref<20016x128xf32, #tpu.memory_space<vmem>>, vector<20016x128xf32>
    tpu.vector_store %arg1[%swap3A, %swap3A_10], %concatenate3A {strides = array<i32>} : memref<20016x128xf32, #tpu.memory_space<vmem>>, vector<20016x128xf32>,
    return
  }
}

module attributes {stable_mosaic.version = 14 : i64} {
  func.func @_layer_body(%arg0: memref<20480x128xf32, #tpu.memory_space<vmem>>, %arg1: memref<10000x128xf32, #tpu.memory_space<vmem>>, %arg2: memref<128x256xf32, #tpu.memory_space<vmem>>, %arg3: memref<256xf32, #tpu.memory_space<vmem>>, %arg4: memref<256xf32, #tpu.memory_space<vmem>>, %arg5: memref<256xf32, #tpu.memory_space<vmem>>, %arg6: memref<256x128xf32, #tpu.memory_space<vmem>>, %arg7: memref<128xf32, #tpu.memory_space<vmem>>, %arg8: memref<10000x128xf32, #tpu.memory_space<vmem>>, %arg9: memref<20016x128xf32, #tpu.memory_space<vmem>>) attributes {dimension_semantics = [], scalar_prefetch = 0 : i64, scratch_operands = 0 : i64, tpu.core_type = #tpu.core_type<tc>} {
    %get3A = arith.constant 10240 : index
    %get3A_0 = arith.constant 0 : index
    %get3A_1 = vector.load %arg0[%get3A, %get3A_0] : memref<20480x128xf32, #tpu.memory_space<vmem>>, vector<10000x128xf32>
    %get3A_2 = arith.constant 0 : index
    %get3A_3 = arith.constant 0 : index
    %get3A_4 = vector.load %arg0[%get3A_2, %get3A_3] : memref<20480x128xf32, #tpu.memory_space<vmem>>, vector<10000x128xf32>
    %add3A = arith.constant 1.000000e-16 : f32
    %add3A_5 = vector.broadcast %add3A : f32 to vector<10000x128xf32>
    %add3A_6 = arith.addf %get3A_4, %add3A_5 : vector<10000x128xf32>
    %div3A = arith.divf %get3A_1, %add3A_6 : vector<10000x128xf32>
    %get3A_7 = arith.constant 0 : index
    %get3A_8 = arith.constant 0 : index
    %get3A_9 = vector.load %arg1[%get3A_7, %get3A_8] : memref<10000x128xf32, #tpu.memory_space<vmem>>, vector<10000x128xf32>
    %add3A_10 = arith.addf %div3A, %get3A_9 : vector<10000x128xf32>
    %get3A_11 = arith.constant 0 : index
    %get3A_12 = arith.constant 0 : index
    %get3A_13 = vector.load %arg2[%get3A_11, %get3A_12] : memref<128x256xf32, #tpu.memory_space<vmem>>, vector<128x256xf32>
    %get3A_14 = arith.constant 0 : index
    %get3A_15 = vector.load %arg3[%get3A_14] : memref<256xf32, #tpu.memory_space<vmem>>, vector<256xf32>
    %get3A_16 = arith.constant 0 : index
    %get3A_17 = vector.load %arg4[%get3A_16] : memref<256xf32, #tpu.memory_space<vmem>>, vector<256xf32>
    %get3A_18 = arith.constant 0 : index
    %get3A_19 = vector.load %arg5[%get3A_18] : memref<256xf32, #tpu.memory_space<vmem>>, vector<256xf32>
    %get3A_20 = arith.constant 0 : index
    %get3A_21 = arith.constant 0 : index
    %get3A_22 = vector.load %arg6[%get3A_20, %get3A_21] : memref<256x128xf32, #tpu.memory_space<vmem>>, vector<256x128xf32>
    %get3A_23 = arith.constant 0 : index
    %get3A_24 = vector.load %arg7[%get3A_23] : memref<128xf32, #tpu.memory_space<vmem>>, vector<128xf32>
    %dot_general3A = arith.constant dense<0.000000e+00> : vector<10000x256xf32>
    %dot_general3A_25 = tpu.matmul %add3A_10, %get3A_13, %dot_general3A {dimension_numbers = #tpu.dot_dimension_numbers<[1], [0], [0], [1], [0, 0, 1, 1], [], []>, transpose_lhs_hint = false} : vector<10000x128xf32>, vector<128x256xf32>, vector<10000x256xf32> -> vector<10000x256xf32>
    %broadcast_in_dim3A = vector.shape_cast %get3A_15 : vector<256xf32> to vector<1x256xf32>
    %add3A_26 = vector.broadcast %broadcast_in_dim3A : vector<1x256xf32> to vector<10000x256xf32>
    %add3A_27 = arith.addf %dot_general3A_25, %add3A_26 : vector<10000x256xf32>
    %reduce_sum3A = arith.constant dense<0.000000e+00> : vector<256xf32>
    %reduce_sum3A_28 = vector.multi_reduction <add>, %add3A_27, %reduce_sum3A [0] : vector<10000x256xf32> to vector<256xf32>
    %div3A_29 = arith.constant 1.000000e+04 : f32
    %div3A_30 = vector.broadcast %div3A_29 : f32 to vector<256xf32>
    %div3A_31 = arith.divf %reduce_sum3A_28, %div3A_30 : vector<256xf32>
    %jit3A = arith.constant 0 : i32
    %reduce_sum3A_32 = arith.constant dense<0.000000e+00> : vector<256xf32>
    %reduce_sum3A_33 = vector.multi_reduction <add>, %add3A_27, %reduce_sum3A_32 [0] : vector<10000x256xf32> to vector<256xf32>
    %broadcast_in_dim3A_34 = vector.shape_cast %reduce_sum3A_33 : vector<256xf32> to vector<1x256xf32>
    %div3A_35 = arith.constant 1.000000e+04 : f32
    %div3A_36 = vector.broadcast %div3A_35 : f32 to vector<1x256xf32>
    %div3A_37 = arith.divf %broadcast_in_dim3A_34, %div3A_36 : vector<1x256xf32>
    %sub3A = vector.broadcast %div3A_37 : vector<1x256xf32> to vector<10000x256xf32>
    %sub3A_38 = arith.subf %add3A_27, %sub3A : vector<10000x256xf32>
    %square3A = arith.mulf %sub3A_38, %sub3A_38 : vector<10000x256xf32>
    %convert_element_type3A = arith.sitofp %jit3A : i32 to f32
    %sub3A_39 = arith.constant 1.000000e+04 : f32
    %sub3A_40 = arith.subf %sub3A_39, %convert_element_type3A : f32
    %reduce_sum3A_41 = arith.constant dense<0.000000e+00> : vector<256xf32>
    %reduce_sum3A_42 = vector.multi_reduction <add>, %square3A, %reduce_sum3A_41 [0] : vector<10000x256xf32> to vector<256xf32>
    %div3A_43 = vector.broadcast %sub3A_40 : f32 to vector<256xf32>
    %div3A_44 = arith.divf %reduce_sum3A_42, %div3A_43 : vector<256xf32>
    %gt3A = arith.constant 0.000000e+00 : f32
    %gt3A_45 = arith.cmpf ogt, %sub3A_40, %gt3A : f32
    %jit3A_46 = arith.constant 0x7FC00000 : f32
    %broadcast_in_dim3A_47 = vector.broadcast %jit3A_46 : f32 to vector<256xf32>
    %select_n3A = arith.select %gt3A_45, %div3A_44, %broadcast_in_dim3A_47 : vector<256xf32>
    %broadcast_in_dim3A_48 = vector.shape_cast %div3A_31 : vector<256xf32> to vector<1x256xf32>
    %sub3A_49 = vector.broadcast %broadcast_in_dim3A_48 : vector<1x256xf32> to vector<10000x256xf32>
    %sub3A_50 = arith.subf %add3A_27, %sub3A_49 : vector<10000x256xf32>
    %add3A_51 = arith.constant 9.99999974E-6 : f32
    %add3A_52 = vector.broadcast %add3A_51 : f32 to vector<256xf32>
    %add3A_53 = arith.addf %select_n3A, %add3A_52 : vector<256xf32>
    %sqrt3A = math.sqrt %add3A_53 : vector<256xf32>
    %broadcast_in_dim3A_54 = vector.shape_cast %sqrt3A : vector<256xf32> to vector<1x256xf32>
    %div3A_55 = vector.broadcast %broadcast_in_dim3A_54 : vector<1x256xf32> to vector<10000x256xf32>
    %div3A_56 = arith.divf %sub3A_50, %div3A_55 : vector<10000x256xf32>
    %broadcast_in_dim3A_57 = vector.shape_cast %get3A_17 : vector<256xf32> to vector<1x256xf32>
    %mul3A = vector.broadcast %broadcast_in_dim3A_57 : vector<1x256xf32> to vector<10000x256xf32>
    %mul3A_58 = arith.mulf %div3A_56, %mul3A : vector<10000x256xf32>
    %broadcast_in_dim3A_59 = vector.shape_cast %get3A_19 : vector<256xf32> to vector<1x256xf32>
    %add3A_60 = vector.broadcast %broadcast_in_dim3A_59 : vector<1x256xf32> to vector<10000x256xf32>
    %add3A_61 = arith.addf %mul3A_58, %add3A_60 : vector<10000x256xf32>
    %max3A = arith.constant 0.000000e+00 : f32
    %max3A_62 = vector.broadcast %max3A : f32 to vector<10000x256xf32>
    %max3A_63 = arith.maximumf %add3A_61, %max3A_62 : vector<10000x256xf32>
    %dot_general3A_64 = arith.constant dense<0.000000e+00> : vector<10000x128xf32>
    %dot_general3A_65 = tpu.matmul %max3A_63, %get3A_22, %dot_general3A_64 {dimension_numbers = #tpu.dot_dimension_numbers<[1], [0], [0], [1], [0, 0, 1, 1], [], []>, transpose_lhs_hint = false} : vector<10000x256xf32>, vector<256x128xf32>, vector<10000x128xf32> -> vector<10000x128xf32>
    %broadcast_in_dim3A_66 = vector.shape_cast %get3A_24 : vector<128xf32> to vector<1x128xf32>
    %add3A_67 = vector.broadcast %broadcast_in_dim3A_66 : vector<1x128xf32> to vector<10000x128xf32>
    %add3A_68 = arith.addf %dot_general3A_65, %add3A_67 : vector<10000x128xf32>
    %max3A_69 = arith.constant 0.000000e+00 : f32
    %max3A_70 = vector.broadcast %max3A_69 : f32 to vector<10000x128xf32>
    %max3A_71 = arith.maximumf %add3A_68, %max3A_70 : vector<10000x128xf32>
    %swap3A = arith.constant 0 : index
    %swap3A_72 = arith.constant 0 : index
    %swap3A_73 = vector.load %arg8[%swap3A, %swap3A_72] : memref<10000x128xf32, #tpu.memory_space<vmem>>, vector<10000x128xf32>
    tpu.vector_store %arg8[%swap3A, %swap3A_72], %max3A_71 {strides = array<i32>} : memref<10000x128xf32, #tpu.memory_space<vmem>>, vector<10000x128xf32>,
    %add3A_74 = arith.constant 1.000000e-07 : f32
    %add3A_75 = vector.broadcast %add3A_74 : f32 to vector<10000x128xf32>
    %add3A_76 = arith.addf %max3A_71, %add3A_75 : vector<10000x128xf32>
    %reduce_max3A = arith.constant dense<0xFF800000> : vector<128xf32>
    %reduce_max3A_77 = vector.multi_reduction <maximumf>, %add3A_76, %reduce_max3A [0] : vector<10000x128xf32> to vector<128xf32>
    %broadcast_in_dim3A_78 = vector.shape_cast %reduce_max3A_77 : vector<128xf32> to vector<1x128xf32>
    %sub3A_79 = vector.broadcast %broadcast_in_dim3A_78 : vector<1x128xf32> to vector<10000x128xf32>
    %sub3A_80 = arith.subf %add3A_76, %sub3A_79 : vector<10000x128xf32>
    %exp3A = math.exp %sub3A_80 : vector<10000x128xf32>
    %mul3A_81 = arith.mulf %add3A_76, %exp3A : vector<10000x128xf32>
    %broadcast_in_dim3A_82 = arith.constant 0.000000e+00 : f32
    %broadcast_in_dim3A_83 = vector.broadcast %broadcast_in_dim3A_82 : f32 to vector<8x128xf32>
    %concatenate3A = tpu.concatenate %exp3A, %broadcast_in_dim3A_83, %mul3A_81, %broadcast_in_dim3A_83 in 0 : vector<10000x128xf32>, vector<8x128xf32>, vector<10000x128xf32>, vector<8x128xf32> -> vector<20016x128xf32>
    %swap3A_84 = arith.constant 0 : index
    %swap3A_85 = arith.constant 0 : index
    %swap3A_86 = vector.load %arg9[%swap3A_84, %swap3A_85] : memref<20016x128xf32, #tpu.memory_space<vmem>>, vector<20016x128xf32>
    tpu.vector_store %arg9[%swap3A_84, %swap3A_85], %concatenate3A {strides = array<i32>} : memref<20016x128xf32, #tpu.memory_space<vmem>>, vector<20016x128xf32>,
    return
  }
}

module attributes {stable_mosaic.version = 14 : i64} {
  func.func @_final_body(%arg0: memref<20480x128xf32, #tpu.memory_space<vmem>>, %arg1: memref<10000x128xf32, #tpu.memory_space<vmem>>, %arg2: memref<128x256xf32, #tpu.memory_space<vmem>>, %arg3: memref<256xf32, #tpu.memory_space<vmem>>, %arg4: memref<256xf32, #tpu.memory_space<vmem>>, %arg5: memref<256xf32, #tpu.memory_space<vmem>>, %arg6: memref<256x128xf32, #tpu.memory_space<vmem>>, %arg7: memref<128xf32, #tpu.memory_space<vmem>>, %arg8: memref<1x10000xi32, #tpu.memory_space<vmem>>, %arg9: memref<128x40xf32, #tpu.memory_space<vmem>>, %arg10: memref<40xf32, #tpu.memory_space<vmem>>, %arg11: memref<64x40xf32, #tpu.memory_space<vmem>>) attributes {dimension_semantics = [], scalar_prefetch = 0 : i64, scratch_operands = 0 : i64, tpu.core_type = #tpu.core_type<tc>} {
    %get3A = arith.constant 10240 : index
    %get3A_0 = arith.constant 0 : index
    %get3A_1 = vector.load %arg0[%get3A, %get3A_0] : memref<20480x128xf32, #tpu.memory_space<vmem>>, vector<10000x128xf32>
    %get3A_2 = arith.constant 0 : index
    %get3A_3 = arith.constant 0 : index
    %get3A_4 = vector.load %arg0[%get3A_2, %get3A_3] : memref<20480x128xf32, #tpu.memory_space<vmem>>, vector<10000x128xf32>
    %add3A = arith.constant 1.000000e-16 : f32
    %add3A_5 = vector.broadcast %add3A : f32 to vector<10000x128xf32>
    %add3A_6 = arith.addf %get3A_4, %add3A_5 : vector<10000x128xf32>
    %div3A = arith.divf %get3A_1, %add3A_6 : vector<10000x128xf32>
    %get3A_7 = arith.constant 0 : index
    %get3A_8 = arith.constant 0 : index
    %get3A_9 = vector.load %arg1[%get3A_7, %get3A_8] : memref<10000x128xf32, #tpu.memory_space<vmem>>, vector<10000x128xf32>
    %add3A_10 = arith.addf %div3A, %get3A_9 : vector<10000x128xf32>
    %get3A_11 = arith.constant 0 : index
    %get3A_12 = arith.constant 0 : index
    %get3A_13 = vector.load %arg2[%get3A_11, %get3A_12] : memref<128x256xf32, #tpu.memory_space<vmem>>, vector<128x256xf32>
    %get3A_14 = arith.constant 0 : index
    %get3A_15 = vector.load %arg3[%get3A_14] : memref<256xf32, #tpu.memory_space<vmem>>, vector<256xf32>
    %get3A_16 = arith.constant 0 : index
    %get3A_17 = vector.load %arg4[%get3A_16] : memref<256xf32, #tpu.memory_space<vmem>>, vector<256xf32>
    %get3A_18 = arith.constant 0 : index
    %get3A_19 = vector.load %arg5[%get3A_18] : memref<256xf32, #tpu.memory_space<vmem>>, vector<256xf32>
    %get3A_20 = arith.constant 0 : index
    %get3A_21 = arith.constant 0 : index
    %get3A_22 = vector.load %arg6[%get3A_20, %get3A_21] : memref<256x128xf32, #tpu.memory_space<vmem>>, vector<256x128xf32>
    %get3A_23 = arith.constant 0 : index
    %get3A_24 = vector.load %arg7[%get3A_23] : memref<128xf32, #tpu.memory_space<vmem>>, vector<128xf32>
    %dot_general3A = arith.constant dense<0.000000e+00> : vector<10000x256xf32>
    %dot_general3A_25 = tpu.matmul %add3A_10, %get3A_13, %dot_general3A {dimension_numbers = #tpu.dot_dimension_numbers<[1], [0], [0], [1], [0, 0, 1, 1], [], []>, transpose_lhs_hint = false} : vector<10000x128xf32>, vector<128x256xf32>, vector<10000x256xf32> -> vector<10000x256xf32>
    %broadcast_in_dim3A = vector.shape_cast %get3A_15 : vector<256xf32> to vector<1x256xf32>
    %add3A_26 = vector.broadcast %broadcast_in_dim3A : vector<1x256xf32> to vector<10000x256xf32>
    %add3A_27 = arith.addf %dot_general3A_25, %add3A_26 : vector<10000x256xf32>
    %reduce_sum3A = arith.constant dense<0.000000e+00> : vector<256xf32>
    %reduce_sum3A_28 = vector.multi_reduction <add>, %add3A_27, %reduce_sum3A [0] : vector<10000x256xf32> to vector<256xf32>
    %div3A_29 = arith.constant 1.000000e+04 : f32
    %div3A_30 = vector.broadcast %div3A_29 : f32 to vector<256xf32>
    %div3A_31 = arith.divf %reduce_sum3A_28, %div3A_30 : vector<256xf32>
    %jit3A = arith.constant 0 : i32
    %reduce_sum3A_32 = arith.constant dense<0.000000e+00> : vector<256xf32>
    %reduce_sum3A_33 = vector.multi_reduction <add>, %add3A_27, %reduce_sum3A_32 [0] : vector<10000x256xf32> to vector<256xf32>
    %broadcast_in_dim3A_34 = vector.shape_cast %reduce_sum3A_33 : vector<256xf32> to vector<1x256xf32>
    %div3A_35 = arith.constant 1.000000e+04 : f32
    %div3A_36 = vector.broadcast %div3A_35 : f32 to vector<1x256xf32>
    %div3A_37 = arith.divf %broadcast_in_dim3A_34, %div3A_36 : vector<1x256xf32>
    %sub3A = vector.broadcast %div3A_37 : vector<1x256xf32> to vector<10000x256xf32>
    %sub3A_38 = arith.subf %add3A_27, %sub3A : vector<10000x256xf32>
    %square3A = arith.mulf %sub3A_38, %sub3A_38 : vector<10000x256xf32>
    %convert_element_type3A = arith.sitofp %jit3A : i32 to f32
    %sub3A_39 = arith.constant 1.000000e+04 : f32
    %sub3A_40 = arith.subf %sub3A_39, %convert_element_type3A : f32
    %reduce_sum3A_41 = arith.constant dense<0.000000e+00> : vector<256xf32>
    %reduce_sum3A_42 = vector.multi_reduction <add>, %square3A, %reduce_sum3A_41 [0] : vector<10000x256xf32> to vector<256xf32>
    %div3A_43 = vector.broadcast %sub3A_40 : f32 to vector<256xf32>
    %div3A_44 = arith.divf %reduce_sum3A_42, %div3A_43 : vector<256xf32>
    %gt3A = arith.constant 0.000000e+00 : f32
    %gt3A_45 = arith.cmpf ogt, %sub3A_40, %gt3A : f32
    %jit3A_46 = arith.constant 0x7FC00000 : f32
    %broadcast_in_dim3A_47 = vector.broadcast %jit3A_46 : f32 to vector<256xf32>
    %select_n3A = arith.select %gt3A_45, %div3A_44, %broadcast_in_dim3A_47 : vector<256xf32>
    %broadcast_in_dim3A_48 = vector.shape_cast %div3A_31 : vector<256xf32> to vector<1x256xf32>
    %sub3A_49 = vector.broadcast %broadcast_in_dim3A_48 : vector<1x256xf32> to vector<10000x256xf32>
    %sub3A_50 = arith.subf %add3A_27, %sub3A_49 : vector<10000x256xf32>
    %add3A_51 = arith.constant 9.99999974E-6 : f32
    %add3A_52 = vector.broadcast %add3A_51 : f32 to vector<256xf32>
    %add3A_53 = arith.addf %select_n3A, %add3A_52 : vector<256xf32>
    %sqrt3A = math.sqrt %add3A_53 : vector<256xf32>
    %broadcast_in_dim3A_54 = vector.shape_cast %sqrt3A : vector<256xf32> to vector<1x256xf32>
    %div3A_55 = vector.broadcast %broadcast_in_dim3A_54 : vector<1x256xf32> to vector<10000x256xf32>
    %div3A_56 = arith.divf %sub3A_50, %div3A_55 : vector<10000x256xf32>
    %broadcast_in_dim3A_57 = vector.shape_cast %get3A_17 : vector<256xf32> to vector<1x256xf32>
    %mul3A = vector.broadcast %broadcast_in_dim3A_57 : vector<1x256xf32> to vector<10000x256xf32>
    %mul3A_58 = arith.mulf %div3A_56, %mul3A : vector<10000x256xf32>
    %broadcast_in_dim3A_59 = vector.shape_cast %get3A_19 : vector<256xf32> to vector<1x256xf32>
    %add3A_60 = vector.broadcast %broadcast_in_dim3A_59 : vector<1x256xf32> to vector<10000x256xf32>
    %add3A_61 = arith.addf %mul3A_58, %add3A_60 : vector<10000x256xf32>
    %max3A = arith.constant 0.000000e+00 : f32
    %max3A_62 = vector.broadcast %max3A : f32 to vector<10000x256xf32>
    %max3A_63 = arith.maximumf %add3A_61, %max3A_62 : vector<10000x256xf32>
    %dot_general3A_64 = arith.constant dense<0.000000e+00> : vector<10000x128xf32>
    %dot_general3A_65 = tpu.matmul %max3A_63, %get3A_22, %dot_general3A_64 {dimension_numbers = #tpu.dot_dimension_numbers<[1], [0], [0], [1], [0, 0, 1, 1], [], []>, transpose_lhs_hint = false} : vector<10000x256xf32>, vector<256x128xf32>, vector<10000x128xf32> -> vector<10000x128xf32>
    %broadcast_in_dim3A_66 = vector.shape_cast %get3A_24 : vector<128xf32> to vector<1x128xf32>
    %add3A_67 = vector.broadcast %broadcast_in_dim3A_66 : vector<1x128xf32> to vector<10000x128xf32>
    %add3A_68 = arith.addf %dot_general3A_65, %add3A_67 : vector<10000x128xf32>
    %max3A_69 = arith.constant 0.000000e+00 : f32
    %max3A_70 = vector.broadcast %max3A_69 : f32 to vector<10000x128xf32>
    %max3A_71 = arith.maximumf %add3A_68, %max3A_70 : vector<10000x128xf32>
    %iota3A = tpu.iota {dimensions = array<i32: 0>} : vector<64x10000xi32>
    %get3A_72 = arith.constant 0 : index
    %get3A_73 = arith.constant 0 : index
    %get3A_74 = vector.load %arg8[%get3A_72, %get3A_73] : memref<1x10000xi32, #tpu.memory_space<vmem>>, vector<1x10000xi32>
    %eq3A = vector.broadcast %get3A_74 : vector<1x10000xi32> to vector<64x10000xi32>
    %eq3A_75 = arith.cmpi eq, %iota3A, %eq3A : vector<64x10000xi32>
    %convert_element_type3A_76 = arith.extui %eq3A_75 : vector<64x10000xi1> to vector<64x10000xi32>
    %convert_element_type3A_77 = arith.sitofp %convert_element_type3A_76 : vector<64x10000xi32> to vector<64x10000xf32>
    %dot_general3A_78 = arith.constant dense<0.000000e+00> : vector<64x128xf32>
    %dot_general3A_79 = tpu.matmul %convert_element_type3A_77, %max3A_71, %dot_general3A_78 {dimension_numbers = #tpu.dot_dimension_numbers<[1], [0], [0], [1], [0, 0, 1, 1], [], []>, transpose_lhs_hint = false} : vector<64x10000xf32>, vector<10000x128xf32>, vector<64x128xf32> -> vector<64x128xf32>
    %reduce_sum3A_80 = arith.constant dense<0.000000e+00> : vector<64xf32>
    %reduce_sum3A_81 = vector.multi_reduction <add>, %convert_element_type3A_77, %reduce_sum3A_80 [1] : vector<64x10000xf32> to vector<64xf32>
    %broadcast_in_dim3A_82 = vector.shape_cast %reduce_sum3A_81 : vector<64xf32> to vector<64x1xf32>
    %max3A_83 = arith.constant 1.000000e+00 : f32
    %max3A_84 = vector.broadcast %max3A_83 : f32 to vector<64x1xf32>
    %max3A_85 = arith.maximumf %broadcast_in_dim3A_82, %max3A_84 : vector<64x1xf32>
    %div3A_86 = vector.broadcast %max3A_85 : vector<64x1xf32> to vector<64x128xf32>
    %div3A_87 = arith.divf %dot_general3A_79, %div3A_86 : vector<64x128xf32>
    %get3A_88 = arith.constant 0 : index
    %get3A_89 = arith.constant 0 : index
    %get3A_90 = vector.load %arg9[%get3A_88, %get3A_89] : memref<128x40xf32, #tpu.memory_space<vmem>>, vector<128x40xf32>
    %dot_general3A_91 = arith.constant dense<0.000000e+00> : vector<64x40xf32>
    %dot_general3A_92 = tpu.matmul %div3A_87, %get3A_90, %dot_general3A_91 {dimension_numbers = #tpu.dot_dimension_numbers<[1], [0], [0], [1], [0, 0, 1, 1], [], []>, transpose_lhs_hint = false} : vector<64x128xf32>, vector<128x40xf32>, vector<64x40xf32> -> vector<64x40xf32>
    %get3A_93 = arith.constant 0 : index
    %get3A_94 = vector.load %arg10[%get3A_93] : memref<40xf32, #tpu.memory_space<vmem>>, vector<40xf32>
    %broadcast_in_dim3A_95 = vector.shape_cast %get3A_94 : vector<40xf32> to vector<1x40xf32>
    %add3A_96 = vector.broadcast %broadcast_in_dim3A_95 : vector<1x40xf32> to vector<64x40xf32>
    %add3A_97 = arith.addf %dot_general3A_92, %add3A_96 : vector<64x40xf32>
    %swap3A = arith.constant 0 : index
    %swap3A_98 = arith.constant 0 : index
    %swap3A_99 = vector.load %arg11[%swap3A, %swap3A_98] : memref<64x40xf32, #tpu.memory_space<vmem>>, vector<64x40xf32>
    tpu.vector_store %arg11[%swap3A, %swap3A_98], %add3A_97 {strides = array<i32>} : memref<64x40xf32, #tpu.memory_space<vmem>>, vector<64x40xf32>,
    return
  }
}

</mosaic_0001>

<sc_bundles>
// kernel: kernel.10.cloned.1.call-start
scs
__scs_entry_jumppad:
0x0: {  	(pc) =	sbr.rel $0x88, $3  }
0x1: {  	(tag) =	ssettag $0x0;
	lr =	simm.s32 $0x1  }
0x2: {  	[smem:$0x3F90] =	sst lr;
	_ =	strace $0xD0000000  }
0x3: {  	_ = 	snop  }
0x4: {  	_ = 	snop  }
0x5: {  	_ = 	snop  }
0x6: {  	_ = 	snop  }
0x7: {  	_ = 	snop  }
__scs_overlays_trampoline_lowered:
0x8: {  	[smem:$0x3F9F] =	sst s0  }
0x9: {  	[smem:$0x3FA0] =	sst s1  }
0xa: {  	[smem:$0x3FA1] =	sst s2  }
0xb: {  	[smem:$0x3FA2] =	sst s3  }
0xc: {  	[smem:$0x3FA3] =	sst s4  }
0xd: {  	[smem:$0x3FA4] =	sst s5  }
0xe: {  	[smem:$0x3FA5] =	sst s6  }
0xf: {  	[smem:$0x3FA6] =	sst s7  }
0x10: {  	[smem:$0x3FA7] =	sst s8  }
0x11: {  	[smem:$0x3FA8] =	sst s9;
	s0 =	simm.s32 @!p0 $0x0  }
0x12: {  	s1 =	sld [smem:$0x3F8E];
	s0 =	simm.s32 @p0 $0x1  }
0x13: {  	[smem:$0x3FA9] =	sst s0;
	s0 =	simm.s32 @!p1 $0x0  }
0x14: {  	s2 =	sld [smem:$0x3F8D];
	s0 =	simm.s32 @p1 $0x1  }
0x15: {  	[smem:$0x3FAA] =	sst s0;
	s0 =	simm.s32 @!p2 $0x0  }
0x16: {  	s3 =	sld [smem:$0x3FDB];
	s0 =	simm.s32 @p2 $0x1  }
0x17: {  	s4 =	simm.s32 $0x1BF5;
	[smem:$0x3FAC] =	sst s0  }
0x18: {  	s0 =	sld [smem:$0x3F8F];
	_ =	swait.ge [sflag:s4], $0x0  }
0x19: {  	s7 =	sld [smem:$0x3F90]  }
0x1a: {  	s8 =	sadd.s32 $0xFFFFE003, lr  }
0x1b: {  	s9 =	sadd.s32 $0xFFFFFEF7, lr;
	s5 =	simm.s32 $0xFFFFFFFF;
	p2 =	slt.u32 s8, $0xFFFFF086  }
0x1c: {  	p1 =	slt.u32 s9, $0xF7A;
	s5 =	simm.s32 @!p2 $0x0  }
0x1d: {  	s5 =	simm.s32 @p1 $0x1;
	p0 =	seq.s32 s7, s2  }
0x1e: {  	s7 =	smul.u32 @!p0 $0xF7A, s2;
	p2 =	seq.s32 @!p0 s5, $0x0  }
0x1f: {  	s9 =	smul.u32 $0xF7A, s1;
	s8 =	simm.s32 @!p0 $0x1BF5;
	p2 =	por !p2, p0  }
0x20: {  	[sflag:s8] =	ssyncset.s32 @!p0 $0xFFFFF086;
	s6 =	sadd.s32 @!p0 s3, s7;
	s7 =	simm.s32 @!p0 $0x108  }
0x21: {  	s3 =	sadd.s32 s3, s9;
	s6 =	sadd.s32 @!p0 $0x88, s6;
	s7 =	simm.s32 @p2 $0x1082  }
0x22: {  	[simem:s7], [sflag:s8] =	dma.local @!p0 [hbm:s6], $0xF7A  }
0x23: {  	s9 =	sor.u32 $0xD0000000, s2;
	s6 =	simm.s32 $0x108;
	_ =	swait.ge @!p0 [sflag:s8], $0x0  }
0x24: {  	s3 =	sadd.s32 $0x88, s3;
	s6 =	simm.s32 @!p1 $0x1082;
	[sflag:s4] =	ssyncset.s32 $0xFFFFF086  }
0x25: {  	[simem:s6], [sflag:s4] =	dma.local [hbm:s3], $0xF7A  }
0x26: {  	[smem:$0x3F90] =	sst s1;
	(tag) =	ssettag s2;
	_ =	strace s9  }
0x27: {  	s1 =	sld [smem:$0x3FA0]  }
0x28: {  	s2 =	sld [smem:$0x3FA1]  }
0x29: {  	s4 =	sld [smem:$0x3FA3]  }
0x2a: {  	p0 =	seq.s32 s5, $0x0;
	s5 =	sld [smem:$0x3FA4]  }
0x2b: {  	s6 =	sld [smem:$0x3FA5]  }
0x2c: {  	s7 =	sld [smem:$0x3FA6]  }
0x2d: {  	s3 =	simm.s32 $0x108;
	s8 =	sld [smem:$0x3FA7]  }
0x2e: {  	s3 =	simm.s32 @!p0 $0x1082;
	s9 =	sld [smem:$0x3FA8]  }
0x2f: {  	lr =	sadd.s32 s0, s3;
	s0 =	sld [smem:$0x3F9F]  }
0x30: {  	s3 =	sld [smem:$0x3FA2]  }
0x31: {  	[smem:$0x3FAB] =	sst s10  }
0x32: {  	s10 =	sld [smem:$0x3FA9];
	_ =	sdelay $0x3  }
0x33: {  	p0 =	seq.s32 s10, $0x1;
	s10 =	sld [smem:$0x3FAB];
	_ =	sdelay $0x3  }
0x34: {  	[smem:$0x3FAB] =	sst s10  }
0x35: {  	s10 =	sld [smem:$0x3FAA];
	_ =	sdelay $0x3  }
0x36: {  	p1 =	seq.s32 s10, $0x1;
	s10 =	sld [smem:$0x3FAB];
	_ =	sdelay $0x3  }
0x37: {  	[smem:$0x3FAB] =	sst s10  }
0x38: {  	s10 =	sld [smem:$0x3FAC]  }
0x39: {  	_ = 	snop;
	(pc) =	sbr.ind lr, $3  }
0x3a: {  	_ = 	snop  }
0x3b: {  	_ = 	snop  }
0x3c: {  	p2 =	seq.s32 s10, $0x1;
	s10 =	sld [smem:$0x3FAB]  }
0x3d: {  	_ =	shalt  }
0x3e: {  	_ =	shalt  }
0x3f: {  	_ =	shalt  }
0x40: {  	_ =	shalt  }
0x41: {  	_ =	shalt  }
0x42: {  	_ =	shalt  }
0x43: {  	_ =	shalt  }
0x44: {  	_ =	shalt  }
0x45: {  	_ =	shalt  }
0x46: {  	_ =	shalt  }
0x47: {  	_ =	shalt  }
0x48: {  	_ =	shalt  }
0x49: {  	_ =	shalt  }
0x4a: {  	_ =	shalt  }
0x4b: {  	_ =	shalt  }
0x4c: {  	_ =	shalt  }
0x4d: {  	_ =	shalt  }
0x4e: {  	_ =	shalt  }
0x4f: {  	_ =	shalt  }
0x50: {  	_ =	shalt  }
0x51: {  	_ =	shalt  }
0x52: {  	_ =	shalt  }
0x53: {  	_ =	shalt  }
0x54: {  	_ =	shalt  }
0x55: {  	_ =	shalt  }
0x56: {  	_ =	shalt  }
0x57: {  	_ =	shalt  }
0x58: {  	_ =	shalt  }
0x59: {  	_ =	shalt  }
0x5a: {  	_ =	shalt  }
0x5b: {  	_ =	shalt  }
0x5c: {  	_ =	shalt  }
0x5d: {  	_ =	shalt  }
0x5e: {  	_ =	shalt  }
0x5f: {  	_ =	shalt  }
0x60: {  	_ =	shalt  }
0x61: {  	_ =	shalt  }
0x62: {  	_ =	shalt  }
0x63: {  	_ =	shalt  }
0x64: {  	_ =	shalt  }
0x65: {  	_ =	shalt  }
0x66: {  	_ =	shalt  }
0x67: {  	_ =	shalt  }
0x68: {  	_ =	shalt  }
0x69: {  	_ =	shalt  }
0x6a: {  	_ =	shalt  }
0x6b: {  	_ =	shalt  }
0x6c: {  	_ =	shalt  }
0x6d: {  	_ =	shalt  }
0x6e: {  	_ =	shalt  }
0x6f: {  	_ =	shalt  }
0x70: {  	_ =	shalt  }
0x71: {  	_ =	shalt  }
0x72: {  	_ =	shalt  }
0x73: {  	_ =	shalt  }
0x74: {  	_ =	shalt  }
0x75: {  	_ =	shalt  }
0x76: {  	_ =	shalt  }
0x77: {  	_ =	shalt  }
0x78: {  	_ =	shalt  }
0x79: {  	_ =	shalt  }
0x7a: {  	_ =	shalt  }
0x7b: {  	_ =	shalt  }
0x7c: {  	_ =	shalt  }
0x7d: {  	_ =	shalt  }
0x7e: {  	_ =	shalt  }
0x7f: {  	_ =	shalt  }
0x80: {  	_ =	shalt  }
0x81: {  	_ =	shalt  }
0x82: {  	_ =	shalt  }
0x83: {  	_ =	shalt  }
0x84: {  	_ =	shalt  }
0x85: {  	_ =	shalt  }
0x86: {  	_ =	shalt  }
0x87: {  	_ =	shalt  }
.Lfunc_end0:
.L_simem_size_0:
called_computation.1_lowered:
.L_overlay_start_0:
0x88: {  	s2 =	sld [smem:$0x3FD9]  }
0x89: {  	s3 =	sld [smem:$0x3FFE];
	_ =	sdelay $0x1  }
0x8a: {  	s1 =	srdreg.scid  }
0x8b: {  	s0 =	sand.u32 $0x1, s1  }
0x8c: {  	s16 =	sshll.u32 s0, $0xA;
	s2 =	sadd.s32 s3, s2  }
0x8d: {  	s2 =	sadd.s32 s2, s16  }
0x8e: {  	[smem:$0x3FB7] =	sst s2  }
0x8f: {  	_ = 	snop  }
0x90: {  	(tm) =	ssettm $0x1  }
0x91: {  	s17 =	sld [smem:$0x3FFB];
	_ =	sdelay $0x3  }
0x92: {  	_ =	strace s17  }
0x93: {  	s2 =	sld [smem:$0x3FFC];
	_ =	sdelay $0x3  }
0x94: {  	_ =	strace s2  }
0x95: {  	s2 =	sld [smem:$0x3FFD];
	_ =	sdelay $0x3  }
0x96: {  	_ =	strace s2  }
0x97: {  	_ =	strace $0x8FFFFFFF  }
0x98: {  	s18 =	sld [smem:$0x3FDB];
	_ =	sdelay $0x1  }
0x99: {  	s19 =	simm.s32 $_scs_section_size  }
0x9a: {  	s4 =	simm.s32 $_size__tile_overlayer_lowered;
	s5 =	simm.s32 $_tile_overlayer_lowered  }
0x9b: {  	s22 =	simm.s32 $0x1BFF;
	s21 =	sshll.u32 s5, $0x1;
	s2 =	sadd.s32 s19, s18  }
0x9c: {  	s6 =	simm.s32 $0x0;
	s20 =	sshll.u32 s4, $0x1;
	s4 =	sadd.s32 s21, s2  }
0x9d: {  	[timem:s6], [sflag:s22] =	dma.local [hbm:s4], s20  }
0x9e: {  	_ =	swait.ge [sflag:s22], s20  }
0x9f: {  	s3 =	ssub.s32 $0x0, s20;
	[sflag:s22] =	ssyncset.done $0x0  }
0xa0: {  	[sflag:s22] =	ssyncadd.s32 s3;
	_ =	sdelay $0x1  }
0xa1: {  	s23 =	simm.s32 $0x1B8B  }
0xa2: {  	_ =	swait.ge [sflag:s23], $0x1  }
0xa3: {  	[sflag:s23] =	ssyncset.done $0x0  }
0xa4: {  	s25 =	simm.s32 $0x1B8E;
	s24 =	sld [smem:$0x3FFE];
	[sflag:s23] =	ssyncadd.s32 $0xFFFFFFFF  }
0xa5: {  	s26 =	simm.s32 $execute0_lowered;
	[smem:$0x3FD2] =	sst s25  }
0xa6: {  	s4 =	sshll.u32 s26, $0x1;
	_ =	strace $0x80000049;
	[dreg:$0x1] =	wrdreg $0xFFFFFFFF  }
0xa7: {  	s28 =	simm.s32 $_size_execute0_lowered;
	s2 =	sadd.s32 s2, s4;
	[dreg:$0x0] =	wrdreg $0x0  }
0xa8: {  	s4 =	sshll.u32 s28, $0x1;
	[dreg:$0x2] =	wrdreg s2  }
0xa9: {  	[dreg:$0x3] =	wrdreg s4  }
0xaa: {  	[dreg:$0x4] =	wrdreg $0xC0  }
0xab: {  	_ =	task [dreg:s6], $0x5FFFF  }
0xac: {  	[dreg:$0x1] =	wrdreg $0xFFFFFFFF  }
0xad: {  	[dreg:$0x0] =	wrdreg $0x60  }
0xae: {  	[dreg:$0x2] =	wrdreg s24  }
0xaf: {  	[dreg:$0x3] =	wrdreg $0x41000  }
0xb0: {  	[dreg:$0x4] =	wrdreg $0x9  }
0xb1: {  	_ =	task.clear_ibuf [dreg:s6], $0x5FFFF;
	_ =	strace $0x90000049  }
0xb2: {  	s29 =	simm.s32 $0x9;
	_ =	strace $0x8000004B  }
0xb3: {  	_ =	swait.ge [sflag:s29], $0x1  }
0xb4: {  	[sflag:s29] =	ssyncadd.s32 $0xFFFFFFFF  }
0xb5: {  	_ =	strace $0x9000004B  }
0xb6: {  	_ =	sfence  }
0xb7: {  	s30 =	sld [smem:$0x0];
	_ =	sdelay $0x2  }
0xb8: {  	s31 =	sshll.u32 s1, $0xD;
	s1 =	sshrl.u32 s1, $0x2  }
0xb9: {  	s3 =	sand.u32 $0x4000, s31;
	s1 =	sadd.s32 s1, s30  }
0xba: {  	s0 =	sor.u32 s3, s0;
	s1 =	sshll.u32 s1, $0x11  }
0xbb: {  	s0 =	sor.u32 s1, s0  }
0xbc: {  	s0 =	sadd.s32 $0x8F2B, s0  }
0xbd: {  	[sflag:s0] =	ssyncadd.remote.s32 $0x1  }
0xbe: {  	_ =	sfence.sel $0xFFFF  }
0xbf: {  	[dreg:$0x0] =	wrdreg $0xFFFFFFFF;
	(pc) =	sbr.abs _section_cstart, $3  }
0xc0: {  	[dreg:$0x1] =	wrdreg $0xFFFFFFFF  }
0xc1: {  	_ =	task.clear_ibuf [dreg:s6], $0x2FFFF;
	_ =	strace $0x9FFFFFFF  }
0xc2: {  	(tm) =	ssettm $0x7FFFFFFF  }
0xc3: {  	_ =	shalt  }
tec
execute0_lowered:
.L_overlay_start_1:
0x0: {  	(tag) =	ssettag $0x1  }
0x1: {  	s5 =	rddreg [dreg:$0x0]  }
0x2: {  	s2 =	rddreg [dreg:$0x1]  }
0x3: {  	s0 =	rddreg [dreg:$0x2];
	s3 =	simm.s32 $0x0;
	s1 =	stileid.u32  }
0x4: {  	s4 =	srdreg.scid;
	s15 =	simm.s32 $0x1;
	s6 =	smul.u32 $0x1400, s1  }
0x5: {  	s16 =	simm.s32 $0x0;
	[smem:$0x7FF] =	sst s3;
	s11 =	smul.u32 $0x28000, s1  }
0x6: {  	s7 =	sand.u32 $0x1, s4;
	s4 =	sadd.s32 $0x21000, s5;
	s13 =	smul.u32 $0x5000, s1  }
0x7: {  	s9 =	sadd.s32 $0x3000, s5;
	s29 =	sshll.u32 s1, $0x6;
	s14 =	smul.u32 $0xA00, s1  }
0x8: {  	_ =	strace $0x8000004A;
	s8 =	smul.u32 $0x28000, s7;
	s25 =	ssub.s32 $0x2, s7  }
0x9: {  	s7 =	smul.u32 $0x50000, s7;
	s10 =	sadd.s32 s6, s5;
	s26 =	sshrl.u32 s25, $0x1  }
0xa: {  	s28 =	sshrl.u32 s11, $0x2;
	s31 =	sadd.s32 s14, s9;
	s14 =	simm.s32 $0x100  }
0xb: {  	s6 =	sadd.s32 s6, s8;
	s8 =	ssub.s32 s25, s26;
	s11 =	sadd.s32 s28, s2  }
0xc: {  	s30 =	sadd.s32 s13, s7;
	s13 =	simm.s32 $0x80;
	s12 =	sadd.s32 s6, s5  }
0xd: {  	s5 =	sadd.s32 $0x6F400, s10;
	s6 =	sor.u32 $0x1C02, s29;
	s10 =	sshrl.u32 s30, $0x3  }
0xe: {  	s8 =	smax.u32 s8, $0x1;
	s11 =	sshrl.u32 s11, $0x3;
	s7 =	sadd.s32 $0x97400, s12  }
0xf: {  	s9 =	sadd.s32 s10, s9;
	s10 =	sadd.s32 $0x14000, s31;
	s12 =	simm.s32 $0x2  }
.LBB2_1:
0x10: {  	[spmem:s11], [sflag:s6] =	dma.local [hbm:s5], $0x1400  }
0x11: {  	_ =	swait.ge [sflag:s12], $0x1400  }
0x12: {  	[sflag:s12] =	ssyncset.done $0x0  }
0x13: {  	[sflag:s12] =	ssyncadd.s32 $0xFFFFEC00  }
0x14: {  	s17 =	sadd.s32 $0x0, s9;
	[bflag:$0x0] =	sbarrier.arrive $0xFFFF  }
0x15: {  	[tilespmem:s3], [sflag:$0x2] =	stream.linear.gather [hbm4b:s17+s3], $0x80, $0x38;
	[tilespmem:$0x18100] =	vst v63  }
0x16: {  	_ =	swait.ge [sflag:s12], $0x80  }
0x17: {  	[sflag:s12] =	ssyncset.done $0x0  }
0x18: {  	s31 =	sadd.s32 $0x0, s10;
	[sflag:s12] =	ssyncadd.s32 $0xFFFFFF80  }
0x19: {  	[tilespmem:s13], [sflag:$0x2] =	stream.linear.gather [hbm4b:s31+s3], $0x80, $0x38;
	[tilespmem:$0x18100] =	vst v63  }
0x1a: {  	_ =	swait.ge [sflag:s12], $0x80  }
0x1b: {  	[sflag:s12] =	ssyncset.done $0x0  }
0x1c: {  	[sflag:s12] =	ssyncadd.s32 $0xFFFFFF80  }
0x1d: {  	[tilespmem:s14], [sflag:$0x1] =	stream.indirect.gather [hbm4b:s4+s13], $0x80, s3, s13, $0xb8;
	[tilespmem:$0x18100] =	vst v63  }
0x1e: {  	_ =	swait.ge [sflag:s15], $0x4000  }
0x1f: {  	[sflag:s15] =	ssyncset.done $0x0  }
0x20: {  	[sflag:s15] =	ssyncadd.s32 $0xFFFFC000  }
0x21: {  	[spmem:s2] =	stream.indirect.scatter.add.f32 [tilespmem:s14], [sflag:$0x2], $0x80, s13, s13, $0xb8;
	[tilespmem:$0x18100] =	vst v63  }
0x22: {  	_ =	swait.ge [sflag:s12], $0x4000  }
0x23: {  	s18 =	simm.s32 $0x20;
	s17 =	simm.s32 $0x10;
	[sflag:s12] =	ssyncset.done $0x0  }
.LBB2_2:
0x24: {  	s19 =	sadd.s32 s17, s9  }
0x25: {  	[sflag:s12] =	ssyncadd.s32 $0xFFFFC000;
	s20 =	smov.u32 s18;
	s21 =	sadd.s32 $0x10, s18  }
0x26: {  	[tilespmem:s3], [sflag:$0x2] =	stream.linear.gather [hbm4b:s19+s3], $0x80, $0x38;
	[tilespmem:$0x18100] =	vst v63  }
0x27: {  	p0 =	sne.s32 s18, $0x9F0;
	_ =	swait.ge [sflag:s12], $0x80  }
0x28: {  	[sflag:s12] =	ssyncset.done $0x0  }
0x29: {  	s18 =	sadd.s32 s17, s10;
	s17 =	smov.u32 s20;
	[sflag:s12] =	ssyncadd.s32 $0xFFFFFF80  }
0x2a: {  	[tilespmem:s13], [sflag:$0x2] =	stream.linear.gather [hbm4b:s18+s3], $0x80, $0x38;
	[tilespmem:$0x18100] =	vst v63  }
0x2b: {  	_ =	swait.ge [sflag:s12], $0x80  }
0x2c: {  	[sflag:s12] =	ssyncset.done $0x0  }
0x2d: {  	[sflag:s12] =	ssyncadd.s32 $0xFFFFFF80  }
0x2e: {  	[tilespmem:s14], [sflag:$0x1] =	stream.indirect.gather [hbm4b:s4+s13], $0x80, s3, s13, $0xb8;
	[tilespmem:$0x18100] =	vst v63  }
0x2f: {  	_ =	swait.ge [sflag:s15], $0x4000  }
.Ltmp0:
0x30: {  	[sflag:s15] =	ssyncset.done $0x0;
	(pc) =	sbr.rel @p0 .LBB2_2-.Ltmp0, $4  }
0x31: {  	[sflag:s15] =	ssyncadd.s32 $0xFFFFC000  }
0x32: {  	[spmem:s2] =	stream.indirect.scatter.add.f32 [tilespmem:s14], [sflag:$0x2], $0x80, s13, s13, $0xb8;
	[tilespmem:$0x18100] =	vst v63  }
0x33: {  	_ =	swait.ge [sflag:s12], $0x4000  }
0x34: {  	s18 =	smov.u32 s21;
	[sflag:s12] =	ssyncset.done $0x0  }
0x35: {  	s18 =	sadd.s32 s17, s9;
	[sflag:s12] =	ssyncadd.s32 $0xFFFFC000  }
0x36: {  	[tilespmem:s3], [sflag:$0x2] =	stream.linear.gather [hbm4b:s18+s3], $0x80, $0x38;
	[tilespmem:$0x18100] =	vst v63  }
0x37: {  	_ =	swait.ge [sflag:s12], $0x80  }
0x38: {  	[sflag:s12] =	ssyncset.done $0x0  }
0x39: {  	s31 =	sadd.s32 s17, s10;
	[sflag:s12] =	ssyncadd.s32 $0xFFFFFF80  }
0x3a: {  	[tilespmem:s13], [sflag:$0x2] =	stream.linear.gather [hbm4b:s31+s3], $0x80, $0x38;
	[tilespmem:$0x18100] =	vst v63  }
0x3b: {  	_ =	swait.ge [sflag:s12], $0x80  }
0x3c: {  	[sflag:s12] =	ssyncset.done $0x0  }
0x3d: {  	[sflag:s12] =	ssyncadd.s32 $0xFFFFFF80  }
0x3e: {  	[tilespmem:s14], [sflag:$0x1] =	stream.indirect.gather [hbm4b:s4+s13], $0x80, s3, s13, $0xb8;
	[tilespmem:$0x18100] =	vst v63  }
0x3f: {  	_ =	swait.ge [sflag:s15], $0x4000  }
0x40: {  	[sflag:s15] =	ssyncset.done $0x0  }
0x41: {  	[sflag:s15] =	ssyncadd.s32 $0xFFFFC000  }
0x42: {  	[spmem:s2] =	stream.indirect.scatter.add.f32 [tilespmem:s14], [sflag:$0x2], $0x80, s13, s13, $0xb8;
	[tilespmem:$0x18100] =	vst v63  }
0x43: {  	_ =	swait.ge [sflag:s12], $0x4000  }
0x44: {  	s16 =	sadd.s32 $0x1, s16;
	[sflag:s12] =	ssyncset.done $0x0  }
0x45: {  	p0 =	sne.s32 s16, s8;
	[sflag:s12] =	ssyncadd.s32 $0xFFFFC000  }
.Ltmp1:
0x46: {  	[bflag:$0x0] =	sbarrier.arrive $0xFFFF;
	(pc) =	sbr.rel @p0 .LBB2_1-.Ltmp1, $4  }
0x47: {  	[hbm:s7], [sflag:s6] =	dma.local [spmem:s11], $0x1400  }
0x48: {  	_ =	swait.ge [sflag:s12], $0x1400  }
0x49: {  	[sflag:s12] =	ssyncset.done $0x0  }
0x4a: {  	[sflag:s12] =	ssyncadd.s32 $0xFFFFEC00  }
0x4b: {  	_ =	sfence.sel $0x180000  }
0x4c: {  	[bflag:$0x0] =	sbarrier.arrive $0xFFFF  }
0x4d: {  	p0 =	sne.s32 s1, $0x0;
	_ =	strace $0x9000004A  }
0x4e: {  	s0 =	sadd.s32 @!p0 $0x100000, s0;
	[bflag:$0x2] =	sbarrier.arrive $0xFFFF  }
0x4f: {  	[sflag:s0] =	ssyncadd.tile.s32 @!p0 $0x1;
	_ =	shalt  }
.Lfunc_end2:
_tile_overlayer_lowered:
.L_overlay_start_2:
0x50: {  	(tag) =	ssettag $0x2  }
0x51: {  	s0 =	rddreg [dreg:$0x0];
	s2 =	stileid.u32  }
0x52: {  	s1 =	rddreg [dreg:$0x1];
	p0 =	sne.s32 s2, $0x0  }
0x53: {  	s3 =	rddreg [dreg:$0x2];
	[bflag:$0x3] =	sbarrier.arrive $0xFFFF;
	s2 =	simm.s32 @!p0 $0x1C02  }
0x54: {  	[timem:s3], [sflag:s2] =	dma.local @!p0 [hbm:s0], s1  }
0x55: {  	s0 =	simm.s32 @!p0 $0x2  }
0x56: {  	_ =	swait.ge @!p0 [sflag:s0], s1  }
0x57: {  	s1 =	ssub.s32 @!p0 $0x0, s1;
	[sflag:s0] =	ssyncset.done @!p0 $0x0  }
0x58: {  	[sflag:s0] =	ssyncadd.s32 @!p0 s1  }
0x59: {  	[bflag:$0x3] =	sbarrier.arrive $0xFFFF  }
0x5a: {  	_ =	shalt  }

// kernel: kernel.7.cloned.1.call-start
scs
__scs_entry_jumppad:
0x0: {  	(pc) =	sbr.rel $0x88, $3  }
0x1: {  	(tag) =	ssettag $0x0;
	lr =	simm.s32 $0x1  }
0x2: {  	[smem:$0x3F90] =	sst lr;
	_ =	strace $0xD0000000  }
0x3: {  	_ = 	snop  }
0x4: {  	_ = 	snop  }
0x5: {  	_ = 	snop  }
0x6: {  	_ = 	snop  }
0x7: {  	_ = 	snop  }
__scs_overlays_trampoline_lowered:
0x8: {  	[smem:$0x3F9F] =	sst s0  }
0x9: {  	[smem:$0x3FA0] =	sst s1  }
0xa: {  	[smem:$0x3FA1] =	sst s2  }
0xb: {  	[smem:$0x3FA2] =	sst s3  }
0xc: {  	[smem:$0x3FA3] =	sst s4  }
0xd: {  	[smem:$0x3FA4] =	sst s5  }
0xe: {  	[smem:$0x3FA5] =	sst s6  }
0xf: {  	[smem:$0x3FA6] =	sst s7  }
0x10: {  	[smem:$0x3FA7] =	sst s8  }
0x11: {  	[smem:$0x3FA8] =	sst s9;
	s0 =	simm.s32 @!p0 $0x0  }
0x12: {  	s1 =	sld [smem:$0x3F8E];
	s0 =	simm.s32 @p0 $0x1  }
0x13: {  	[smem:$0x3FA9] =	sst s0;
	s0 =	simm.s32 @!p1 $0x0  }
0x14: {  	s2 =	sld [smem:$0x3F8D];
	s0 =	simm.s32 @p1 $0x1  }
0x15: {  	[smem:$0x3FAA] =	sst s0;
	s0 =	simm.s32 @!p2 $0x0  }
0x16: {  	s3 =	sld [smem:$0x3FDB];
	s0 =	simm.s32 @p2 $0x1  }
0x17: {  	s4 =	simm.s32 $0x1BF5;
	[smem:$0x3FAC] =	sst s0  }
0x18: {  	s0 =	sld [smem:$0x3F8F];
	_ =	swait.ge [sflag:s4], $0x0  }
0x19: {  	s7 =	sld [smem:$0x3F90]  }
0x1a: {  	s8 =	sadd.s32 $0xFFFFE003, lr  }
0x1b: {  	s9 =	sadd.s32 $0xFFFFFEF7, lr;
	s5 =	simm.s32 $0xFFFFFFFF;
	p2 =	slt.u32 s8, $0xFFFFF086  }
0x1c: {  	p1 =	slt.u32 s9, $0xF7A;
	s5 =	simm.s32 @!p2 $0x0  }
0x1d: {  	s5 =	simm.s32 @p1 $0x1;
	p0 =	seq.s32 s7, s2  }
0x1e: {  	s7 =	smul.u32 @!p0 $0xF7A, s2;
	p2 =	seq.s32 @!p0 s5, $0x0  }
0x1f: {  	s9 =	smul.u32 $0xF7A, s1;
	s8 =	simm.s32 @!p0 $0x1BF5;
	p2 =	por !p2, p0  }
0x20: {  	[sflag:s8] =	ssyncset.s32 @!p0 $0xFFFFF086;
	s6 =	sadd.s32 @!p0 s3, s7;
	s7 =	simm.s32 @!p0 $0x108  }
0x21: {  	s3 =	sadd.s32 s3, s9;
	s6 =	sadd.s32 @!p0 $0x88, s6;
	s7 =	simm.s32 @p2 $0x1082  }
0x22: {  	[simem:s7], [sflag:s8] =	dma.local @!p0 [hbm:s6], $0xF7A  }
0x23: {  	s9 =	sor.u32 $0xD0000000, s2;
	s6 =	simm.s32 $0x108;
	_ =	swait.ge @!p0 [sflag:s8], $0x0  }
0x24: {  	s3 =	sadd.s32 $0x88, s3;
	s6 =	simm.s32 @!p1 $0x1082;
	[sflag:s4] =	ssyncset.s32 $0xFFFFF086  }
0x25: {  	[simem:s6], [sflag:s4] =	dma.local [hbm:s3], $0xF7A  }
0x26: {  	[smem:$0x3F90] =	sst s1;
	(tag) =	ssettag s2;
	_ =	strace s9  }
0x27: {  	s1 =	sld [smem:$0x3FA0]  }
0x28: {  	s2 =	sld [smem:$0x3FA1]  }
0x29: {  	s4 =	sld [smem:$0x3FA3]  }
0x2a: {  	p0 =	seq.s32 s5, $0x0;
	s5 =	sld [smem:$0x3FA4]  }
0x2b: {  	s6 =	sld [smem:$0x3FA5]  }
0x2c: {  	s7 =	sld [smem:$0x3FA6]  }
0x2d: {  	s3 =	simm.s32 $0x108;
	s8 =	sld [smem:$0x3FA7]  }
0x2e: {  	s3 =	simm.s32 @!p0 $0x1082;
	s9 =	sld [smem:$0x3FA8]  }
0x2f: {  	lr =	sadd.s32 s0, s3;
	s0 =	sld [smem:$0x3F9F]  }
0x30: {  	s3 =	sld [smem:$0x3FA2]  }
0x31: {  	[smem:$0x3FAB] =	sst s10  }
0x32: {  	s10 =	sld [smem:$0x3FA9];
	_ =	sdelay $0x3  }
0x33: {  	p0 =	seq.s32 s10, $0x1;
	s10 =	sld [smem:$0x3FAB];
	_ =	sdelay $0x3  }
0x34: {  	[smem:$0x3FAB] =	sst s10  }
0x35: {  	s10 =	sld [smem:$0x3FAA];
	_ =	sdelay $0x3  }
0x36: {  	p1 =	seq.s32 s10, $0x1;
	s10 =	sld [smem:$0x3FAB];
	_ =	sdelay $0x3  }
0x37: {  	[smem:$0x3FAB] =	sst s10  }
0x38: {  	s10 =	sld [smem:$0x3FAC]  }
0x39: {  	_ = 	snop;
	(pc) =	sbr.ind lr, $3  }
0x3a: {  	_ = 	snop  }
0x3b: {  	_ = 	snop  }
0x3c: {  	p2 =	seq.s32 s10, $0x1;
	s10 =	sld [smem:$0x3FAB]  }
0x3d: {  	_ =	shalt  }
0x3e: {  	_ =	shalt  }
0x3f: {  	_ =	shalt  }
0x40: {  	_ =	shalt  }
0x41: {  	_ =	shalt  }
0x42: {  	_ =	shalt  }
0x43: {  	_ =	shalt  }
0x44: {  	_ =	shalt  }
0x45: {  	_ =	shalt  }
0x46: {  	_ =	shalt  }
0x47: {  	_ =	shalt  }
0x48: {  	_ =	shalt  }
0x49: {  	_ =	shalt  }
0x4a: {  	_ =	shalt  }
0x4b: {  	_ =	shalt  }
0x4c: {  	_ =	shalt  }
0x4d: {  	_ =	shalt  }
0x4e: {  	_ =	shalt  }
0x4f: {  	_ =	shalt  }
0x50: {  	_ =	shalt  }
0x51: {  	_ =	shalt  }
0x52: {  	_ =	shalt  }
0x53: {  	_ =	shalt  }
0x54: {  	_ =	shalt  }
0x55: {  	_ =	shalt  }
0x56: {  	_ =	shalt  }
0x57: {  	_ =	shalt  }
0x58: {  	_ =	shalt  }
0x59: {  	_ =	shalt  }
0x5a: {  	_ =	shalt  }
0x5b: {  	_ =	shalt  }
0x5c: {  	_ =	shalt  }
0x5d: {  	_ =	shalt  }
0x5e: {  	_ =	shalt  }
0x5f: {  	_ =	shalt  }
0x60: {  	_ =	shalt  }
0x61: {  	_ =	shalt  }
0x62: {  	_ =	shalt  }
0x63: {  	_ =	shalt  }
0x64: {  	_ =	shalt  }
0x65: {  	_ =	shalt  }
0x66: {  	_ =	shalt  }
0x67: {  	_ =	shalt  }
0x68: {  	_ =	shalt  }
0x69: {  	_ =	shalt  }
0x6a: {  	_ =	shalt  }
0x6b: {  	_ =	shalt  }
0x6c: {  	_ =	shalt  }
0x6d: {  	_ =	shalt  }
0x6e: {  	_ =	shalt  }
0x6f: {  	_ =	shalt  }
0x70: {  	_ =	shalt  }
0x71: {  	_ =	shalt  }
0x72: {  	_ =	shalt  }
0x73: {  	_ =	shalt  }
0x74: {  	_ =	shalt  }
0x75: {  	_ =	shalt  }
0x76: {  	_ =	shalt  }
0x77: {  	_ =	shalt  }
0x78: {  	_ =	shalt  }
0x79: {  	_ =	shalt  }
0x7a: {  	_ =	shalt  }
0x7b: {  	_ =	shalt  }
0x7c: {  	_ =	shalt  }
0x7d: {  	_ =	shalt  }
0x7e: {  	_ =	shalt  }
0x7f: {  	_ =	shalt  }
0x80: {  	_ =	shalt  }
0x81: {  	_ =	shalt  }
0x82: {  	_ =	shalt  }
0x83: {  	_ =	shalt  }
0x84: {  	_ =	shalt  }
0x85: {  	_ =	shalt  }
0x86: {  	_ =	shalt  }
0x87: {  	_ =	shalt  }
.Lfunc_end0:
.L_simem_size_0:
called_computation_lowered:
.L_overlay_start_0:
0x88: {  	s2 =	sld [smem:$0x3FD9]  }
0x89: {  	s3 =	sld [smem:$0x3FFE];
	_ =	sdelay $0x1  }
0x8a: {  	s1 =	srdreg.scid  }
0x8b: {  	s0 =	sand.u32 $0x1, s1  }
0x8c: {  	s16 =	sshll.u32 s0, $0xA;
	s2 =	sadd.s32 s3, s2  }
0x8d: {  	s2 =	sadd.s32 s2, s16  }
0x8e: {  	[smem:$0x3FB7] =	sst s2  }
0x8f: {  	_ = 	snop  }
0x90: {  	(tm) =	ssettm $0x1  }
0x91: {  	s17 =	sld [smem:$0x3FFB];
	_ =	sdelay $0x3  }
0x92: {  	_ =	strace s17  }
0x93: {  	s2 =	sld [smem:$0x3FFC];
	_ =	sdelay $0x3  }
0x94: {  	_ =	strace s2  }
0x95: {  	s2 =	sld [smem:$0x3FFD];
	_ =	sdelay $0x3  }
0x96: {  	_ =	strace s2  }
0x97: {  	_ =	strace $0x8FFFFFFF  }
0x98: {  	s18 =	sld [smem:$0x3FDB];
	_ =	sdelay $0x1  }
0x99: {  	s19 =	simm.s32 $_scs_section_size  }
0x9a: {  	s4 =	simm.s32 $_size__tile_overlayer_lowered;
	s5 =	simm.s32 $_tile_overlayer_lowered  }
0x9b: {  	s22 =	simm.s32 $0x1BFF;
	s21 =	sshll.u32 s5, $0x1;
	s2 =	sadd.s32 s19, s18  }
0x9c: {  	s6 =	simm.s32 $0x0;
	s20 =	sshll.u32 s4, $0x1;
	s4 =	sadd.s32 s21, s2  }
0x9d: {  	[timem:s6], [sflag:s22] =	dma.local [hbm:s4], s20  }
0x9e: {  	_ =	swait.ge [sflag:s22], s20  }
0x9f: {  	s3 =	ssub.s32 $0x0, s20;
	[sflag:s22] =	ssyncset.done $0x0  }
0xa0: {  	[sflag:s22] =	ssyncadd.s32 s3;
	_ =	sdelay $0x1  }
0xa1: {  	s23 =	simm.s32 $0x1B8B  }
0xa2: {  	_ =	swait.ge [sflag:s23], $0x1  }
0xa3: {  	[sflag:s23] =	ssyncset.done $0x0  }
0xa4: {  	s25 =	simm.s32 $0x1B8E;
	s24 =	sld [smem:$0x3FFE];
	[sflag:s23] =	ssyncadd.s32 $0xFFFFFFFF  }
0xa5: {  	s26 =	simm.s32 $execute0_lowered;
	[smem:$0x3FD2] =	sst s25  }
0xa6: {  	s4 =	sshll.u32 s26, $0x1;
	_ =	strace $0x80000046;
	[dreg:$0x1] =	wrdreg $0xFFFFFFFF  }
0xa7: {  	s28 =	simm.s32 $_size_execute0_lowered;
	s2 =	sadd.s32 s2, s4;
	[dreg:$0x0] =	wrdreg $0x0  }
0xa8: {  	s4 =	sshll.u32 s28, $0x1;
	[dreg:$0x2] =	wrdreg s2  }
0xa9: {  	[dreg:$0x3] =	wrdreg s4  }
0xaa: {  	[dreg:$0x4] =	wrdreg $0xC0  }
0xab: {  	_ =	task [dreg:s6], $0x5FFFF  }
0xac: {  	[dreg:$0x1] =	wrdreg $0xFFFFFFFF  }
0xad: {  	[dreg:$0x0] =	wrdreg $0x60  }
0xae: {  	[dreg:$0x2] =	wrdreg s24  }
0xaf: {  	[dreg:$0x3] =	wrdreg $0x41000  }
0xb0: {  	[dreg:$0x4] =	wrdreg $0x9  }
0xb1: {  	_ =	task.clear_ibuf [dreg:s6], $0x5FFFF;
	_ =	strace $0x90000046  }
0xb2: {  	s29 =	simm.s32 $0x9;
	_ =	strace $0x80000048  }
0xb3: {  	_ =	swait.ge [sflag:s29], $0x1  }
0xb4: {  	[sflag:s29] =	ssyncadd.s32 $0xFFFFFFFF  }
0xb5: {  	_ =	strace $0x90000048  }
0xb6: {  	_ =	sfence  }
0xb7: {  	s30 =	sld [smem:$0x0];
	_ =	sdelay $0x2  }
0xb8: {  	s31 =	sshll.u32 s1, $0xD;
	s1 =	sshrl.u32 s1, $0x2  }
0xb9: {  	s3 =	sand.u32 $0x4000, s31;
	s1 =	sadd.s32 s1, s30  }
0xba: {  	s0 =	sor.u32 s3, s0;
	s1 =	sshll.u32 s1, $0x11  }
0xbb: {  	s0 =	sor.u32 s1, s0  }
0xbc: {  	s0 =	sadd.s32 $0x8F2B, s0  }
0xbd: {  	[sflag:s0] =	ssyncadd.remote.s32 $0x1  }
0xbe: {  	_ =	sfence.sel $0xFFFF  }
0xbf: {  	[dreg:$0x0] =	wrdreg $0xFFFFFFFF;
	(pc) =	sbr.abs _section_cstart, $3  }
0xc0: {  	[dreg:$0x1] =	wrdreg $0xFFFFFFFF  }
0xc1: {  	_ =	task.clear_ibuf [dreg:s6], $0x2FFFF;
	_ =	strace $0x9FFFFFFF  }
0xc2: {  	(tm) =	ssettm $0x7FFFFFFF  }
0xc3: {  	_ =	shalt  }
tec
execute0_lowered:
.L_overlay_start_1:
0x0: {  	(tag) =	ssettag $0x1  }
0x1: {  	s5 =	rddreg [dreg:$0x0]  }
0x2: {  	s2 =	rddreg [dreg:$0x1]  }
0x3: {  	s0 =	rddreg [dreg:$0x2];
	s3 =	simm.s32 $0x0;
	s1 =	stileid.u32  }
0x4: {  	s4 =	srdreg.scid;
	s15 =	simm.s32 $0x1;
	s6 =	smul.u32 $0x1400, s1  }
0x5: {  	s16 =	simm.s32 $0x0;
	[smem:$0x7FF] =	sst s3;
	s11 =	smul.u32 $0x28000, s1  }
0x6: {  	s7 =	sand.u32 $0x1, s4;
	s4 =	sadd.s32 $0x21000, s5;
	s13 =	smul.u32 $0x5000, s1  }
0x7: {  	s9 =	sadd.s32 $0x3000, s5;
	s29 =	sshll.u32 s1, $0x6;
	s14 =	smul.u32 $0xA00, s1  }
0x8: {  	_ =	strace $0x80000047;
	s8 =	smul.u32 $0x28000, s7;
	s25 =	ssub.s32 $0x2, s7  }
0x9: {  	s7 =	smul.u32 $0x50000, s7;
	s10 =	sadd.s32 s6, s5;
	s26 =	sshrl.u32 s25, $0x1  }
0xa: {  	s28 =	sshrl.u32 s11, $0x2;
	s31 =	sadd.s32 s14, s9;
	s14 =	simm.s32 $0x100  }
0xb: {  	s6 =	sadd.s32 s6, s8;
	s8 =	ssub.s32 s25, s26;
	s11 =	sadd.s32 s28, s2  }
0xc: {  	s30 =	sadd.s32 s13, s7;
	s13 =	simm.s32 $0x80;
	s12 =	sadd.s32 s6, s5  }
0xd: {  	s5 =	sadd.s32 $0x6F400, s10;
	s6 =	sor.u32 $0x1C02, s29;
	s10 =	sshrl.u32 s30, $0x3  }
0xe: {  	s8 =	smax.u32 s8, $0x1;
	s11 =	sshrl.u32 s11, $0x3;
	s7 =	sadd.s32 $0x97400, s12  }
0xf: {  	s9 =	sadd.s32 s10, s9;
	s10 =	sadd.s32 $0x14000, s31;
	s12 =	simm.s32 $0x2  }
.LBB2_1:
0x10: {  	[spmem:s11], [sflag:s6] =	dma.local [hbm:s5], $0x1400  }
0x11: {  	_ =	swait.ge [sflag:s12], $0x1400  }
0x12: {  	[sflag:s12] =	ssyncset.done $0x0  }
0x13: {  	[sflag:s12] =	ssyncadd.s32 $0xFFFFEC00  }
0x14: {  	s17 =	sadd.s32 $0x0, s9;
	[bflag:$0x0] =	sbarrier.arrive $0xFFFF  }
0x15: {  	[tilespmem:s3], [sflag:$0x2] =	stream.linear.gather [hbm4b:s17+s3], $0x80, $0x38;
	[tilespmem:$0x18100] =	vst v63  }
0x16: {  	_ =	swait.ge [sflag:s12], $0x80  }
0x17: {  	[sflag:s12] =	ssyncset.done $0x0  }
0x18: {  	s31 =	sadd.s32 $0x0, s10;
	[sflag:s12] =	ssyncadd.s32 $0xFFFFFF80  }
0x19: {  	[tilespmem:s13], [sflag:$0x2] =	stream.linear.gather [hbm4b:s31+s3], $0x80, $0x38;
	[tilespmem:$0x18100] =	vst v63  }
0x1a: {  	_ =	swait.ge [sflag:s12], $0x80  }
0x1b: {  	[sflag:s12] =	ssyncset.done $0x0  }
0x1c: {  	[sflag:s12] =	ssyncadd.s32 $0xFFFFFF80  }
0x1d: {  	[tilespmem:s14], [sflag:$0x1] =	stream.indirect.gather [hbm4b:s4+s13], $0x80, s3, s13, $0xb8;
	[tilespmem:$0x18100] =	vst v63  }
0x1e: {  	_ =	swait.ge [sflag:s15], $0x4000  }
0x1f: {  	[sflag:s15] =	ssyncset.done $0x0  }
0x20: {  	[sflag:s15] =	ssyncadd.s32 $0xFFFFC000  }
0x21: {  	[spmem:s2] =	stream.indirect.scatter.add.f32 [tilespmem:s14], [sflag:$0x2], $0x80, s13, s13, $0xb8;
	[tilespmem:$0x18100] =	vst v63  }
0x22: {  	_ =	swait.ge [sflag:s12], $0x4000  }
0x23: {  	s18 =	simm.s32 $0x20;
	s17 =	simm.s32 $0x10;
	[sflag:s12] =	ssyncset.done $0x0  }
.LBB2_2:
0x24: {  	s19 =	sadd.s32 s17, s9  }
0x25: {  	[sflag:s12] =	ssyncadd.s32 $0xFFFFC000;
	s20 =	smov.u32 s18;
	s21 =	sadd.s32 $0x10, s18  }
0x26: {  	[tilespmem:s3], [sflag:$0x2] =	stream.linear.gather [hbm4b:s19+s3], $0x80, $0x38;
	[tilespmem:$0x18100] =	vst v63  }
0x27: {  	p0 =	sne.s32 s18, $0x9F0;
	_ =	swait.ge [sflag:s12], $0x80  }
0x28: {  	[sflag:s12] =	ssyncset.done $0x0  }
0x29: {  	s18 =	sadd.s32 s17, s10;
	s17 =	smov.u32 s20;
	[sflag:s12] =	ssyncadd.s32 $0xFFFFFF80  }
0x2a: {  	[tilespmem:s13], [sflag:$0x2] =	stream.linear.gather [hbm4b:s18+s3], $0x80, $0x38;
	[tilespmem:$0x18100] =	vst v63  }
0x2b: {  	_ =	swait.ge [sflag:s12], $0x80  }
0x2c: {  	[sflag:s12] =	ssyncset.done $0x0  }
0x2d: {  	[sflag:s12] =	ssyncadd.s32 $0xFFFFFF80  }
0x2e: {  	[tilespmem:s14], [sflag:$0x1] =	stream.indirect.gather [hbm4b:s4+s13], $0x80, s3, s13, $0xb8;
	[tilespmem:$0x18100] =	vst v63  }
0x2f: {  	_ =	swait.ge [sflag:s15], $0x4000  }
.Ltmp0:
0x30: {  	[sflag:s15] =	ssyncset.done $0x0;
	(pc) =	sbr.rel @p0 .LBB2_2-.Ltmp0, $4  }
0x31: {  	[sflag:s15] =	ssyncadd.s32 $0xFFFFC000  }
0x32: {  	[spmem:s2] =	stream.indirect.scatter.add.f32 [tilespmem:s14], [sflag:$0x2], $0x80, s13, s13, $0xb8;
	[tilespmem:$0x18100] =	vst v63  }
0x33: {  	_ =	swait.ge [sflag:s12], $0x4000  }
0x34: {  	s18 =	smov.u32 s21;
	[sflag:s12] =	ssyncset.done $0x0  }
0x35: {  	s18 =	sadd.s32 s17, s9;
	[sflag:s12] =	ssyncadd.s32 $0xFFFFC000  }
0x36: {  	[tilespmem:s3], [sflag:$0x2] =	stream.linear.gather [hbm4b:s18+s3], $0x80, $0x38;
	[tilespmem:$0x18100] =	vst v63  }
0x37: {  	_ =	swait.ge [sflag:s12], $0x80  }
0x38: {  	[sflag:s12] =	ssyncset.done $0x0  }
0x39: {  	s31 =	sadd.s32 s17, s10;
	[sflag:s12] =	ssyncadd.s32 $0xFFFFFF80  }
0x3a: {  	[tilespmem:s13], [sflag:$0x2] =	stream.linear.gather [hbm4b:s31+s3], $0x80, $0x38;
	[tilespmem:$0x18100] =	vst v63  }
0x3b: {  	_ =	swait.ge [sflag:s12], $0x80  }
0x3c: {  	[sflag:s12] =	ssyncset.done $0x0  }
0x3d: {  	[sflag:s12] =	ssyncadd.s32 $0xFFFFFF80  }
0x3e: {  	[tilespmem:s14], [sflag:$0x1] =	stream.indirect.gather [hbm4b:s4+s13], $0x80, s3, s13, $0xb8;
	[tilespmem:$0x18100] =	vst v63  }
0x3f: {  	_ =	swait.ge [sflag:s15], $0x4000  }
0x40: {  	[sflag:s15] =	ssyncset.done $0x0  }
0x41: {  	[sflag:s15] =	ssyncadd.s32 $0xFFFFC000  }
0x42: {  	[spmem:s2] =	stream.indirect.scatter.add.f32 [tilespmem:s14], [sflag:$0x2], $0x80, s13, s13, $0xb8;
	[tilespmem:$0x18100] =	vst v63  }
0x43: {  	_ =	swait.ge [sflag:s12], $0x4000  }
0x44: {  	s16 =	sadd.s32 $0x1, s16;
	[sflag:s12] =	ssyncset.done $0x0  }
0x45: {  	p0 =	sne.s32 s16, s8;
	[sflag:s12] =	ssyncadd.s32 $0xFFFFC000  }
.Ltmp1:
0x46: {  	[bflag:$0x0] =	sbarrier.arrive $0xFFFF;
	(pc) =	sbr.rel @p0 .LBB2_1-.Ltmp1, $4  }
0x47: {  	[hbm:s7], [sflag:s6] =	dma.local [spmem:s11], $0x1400  }
0x48: {  	_ =	swait.ge [sflag:s12], $0x1400  }
0x49: {  	[sflag:s12] =	ssyncset.done $0x0  }
0x4a: {  	[sflag:s12] =	ssyncadd.s32 $0xFFFFEC00  }
0x4b: {  	_ =	sfence.sel $0x180000  }
0x4c: {  	[bflag:$0x0] =	sbarrier.arrive $0xFFFF  }
0x4d: {  	p0 =	sne.s32 s1, $0x0;
	_ =	strace $0x90000047  }
0x4e: {  	s0 =	sadd.s32 @!p0 $0x100000, s0;
	[bflag:$0x2] =	sbarrier.arrive $0xFFFF  }
0x4f: {  	[sflag:s0] =	ssyncadd.tile.s32 @!p0 $0x1;
	_ =	shalt  }
.Lfunc_end2:
_tile_overlayer_lowered:
.L_overlay_start_2:
0x50: {  	(tag) =	ssettag $0x2  }
0x51: {  	s0 =	rddreg [dreg:$0x0];
	s2 =	stileid.u32  }
0x52: {  	s1 =	rddreg [dreg:$0x1];
	p0 =	sne.s32 s2, $0x0  }
0x53: {  	s3 =	rddreg [dreg:$0x2];
	[bflag:$0x3] =	sbarrier.arrive $0xFFFF;
	s2 =	simm.s32 @!p0 $0x1C02  }
0x54: {  	[timem:s3], [sflag:s2] =	dma.local @!p0 [hbm:s0], s1  }
0x55: {  	s0 =	simm.s32 @!p0 $0x2  }
0x56: {  	_ =	swait.ge @!p0 [sflag:s0], s1  }
0x57: {  	s1 =	ssub.s32 @!p0 $0x0, s1;
	[sflag:s0] =	ssyncset.done @!p0 $0x0  }
0x58: {  	[sflag:s0] =	ssyncadd.s32 @!p0 s1  }
0x59: {  	[bflag:$0x3] =	sbarrier.arrive $0xFFFF  }
0x5a: {  	_ =	shalt  }

</sc_bundles>
